<compile_context>
chip_gen: v7x
topology: tpu7x:2x2x1
jax: 0.10.2.dev20260603
libtpu: 0.0.44.dev20260713+nightly
codegen_flags: <defaults>
</compile_context>

<pallas_src>
import jax
import jax.numpy as jnp
from jax import lax
from jax.experimental import pallas as pl
from jax.experimental.pallas import tpu as pltpu
from jax.experimental.pallas import tpu_sc as plsc

NC = 2
NS = 16
NW = NC * NS
L = 16

NUM_W = 64
HALF = NUM_W // 2


def _make_sc_call(rows, cols, tbl_n):
    rpw = rows // NW
    nvec = cols // L

    mesh = plsc.VectorSubcoreMesh(
        core_axis_name="c", subcore_axis_name="s",
        num_cores=NC, num_subcores=NS)

    @pl.kernel(
        out_type=jax.ShapeDtypeStruct((rows, cols), jnp.float32),
        mesh=mesh,
        compiler_params=pltpu.CompilerParams(needs_layout_passes=False),
        scratch_types=[
            pltpu.VMEM((tbl_n,), jnp.float32),
            pltpu.VMEM((rpw + L,), jnp.int32),
            pltpu.VMEM((L,), jnp.float32),
            pltpu.VMEM((cols,), jnp.float32),
            pltpu.VMEM((cols,), jnp.float32),
        ],
    )
    def sc_fn(x_hbm, tbl_hbm, g_hbm, zrow_hbm, out_hbm,
              tbl_v, zrow_v, g_v, xbuf, obuf):
        wid = lax.axis_index("s") * NC + lax.axis_index("c")
        base = wid * rpw

        pltpu.sync_copy(g_hbm, g_v)
        pltpu.sync_copy(zrow_hbm.at[pl.ds(base, rpw)], zrow_v.at[pl.ds(0, rpw)])
        pltpu.sync_copy(tbl_hbm, tbl_v)

        gv = g_v[...]
        inv_g = 1.0 / gv
        lo = -(gv * float(HALF))
        hi = gv * float(HALF - 1)
        fbias = jnp.full((L,), float(HALF), jnp.float32)

        @pl.loop(0, rpw)
        def _row(j):
            pltpu.sync_copy(x_hbm.at[base + j], xbuf)
            zk = zrow_v[pl.ds(j, L)][0] - HALF
            zvec = jnp.full((L,), zk, jnp.int32)

            @plsc.parallel_loop(0, nvec, unroll=4)
            def _vec(v):
                sl = pl.ds(v * L, L)
                x = xbuf[sl]
                xc = jnp.minimum(jnp.maximum(x, lo), hi)
                tb = xc * inv_g + fbias
                i = tb.astype(jnp.int32)
                frac = tb - i.astype(jnp.float32)
                idx0 = zvec + i
                c0 = plsc.load_gather(tbl_v, [idx0])
                c1 = plsc.load_gather(tbl_v, [idx0 + 1])
                res = c0 + frac * (c1 - c0)
                obuf[sl] = jnp.where(x == xc, res, x)

            pltpu.sync_copy(obuf, out_hbm.at[base + j])

    return sc_fn


def kernel(input, coefficients_vect, grid, zero_knot_indexes):
    b, c, d, h, w = input.shape
    rows = b * c
    cols = d * h * w
    x2 = input.reshape(rows, cols)
    zrow = jnp.tile(zero_knot_indexes.astype(jnp.int32), b)
    g16 = jnp.broadcast_to(grid.astype(jnp.float32), (L,))
    sc_fn = _make_sc_call(rows, cols, coefficients_vect.shape[0])
    out = sc_fn(x2, coefficients_vect, g16, zrow)
    return out.reshape(input.shape)

# --- scband reference (transcript-rebuilt; emitter-appended) ---
"""Pipeline reference for scband-linear-activation-48223892799735 (READ-ONLY COPY).

The authoritative reference and input builder live on the scoring server;
editing this copy changes nothing except your own understanding.
"""

import jax, jax.numpy as jnp
import numpy as np

NUM_ACT = 256
NUM_W = 64
GRID = 0.1


def setup_inputs(seed: int = 0) -> dict:
    key = jax.random.key(seed)
    k1, = jax.random.split(key, 1)
    x = jax.random.normal(k1, (8, 256, 2, 56, 56), dtype=jnp.float32)
    grid = jnp.array([GRID], dtype=jnp.float32)
    # grid_tensor = arange(-(n//2), n//2+1) * grid, expanded to (num_activations, n+1), scaled by 0.01
    gt = jnp.arange(-(NUM_W // 2), NUM_W // 2 + 1, dtype=jnp.float32) * GRID
    coefficients_vect = (jnp.broadcast_to(gt * 0.01, (NUM_ACT, NUM_W + 1))).reshape(-1)
    zero_knot_indexes = jnp.arange(NUM_ACT, dtype=jnp.int32) * NUM_W + NUM_W // 2
    return {
        "input": x,
        "coefficients_vect": coefficients_vect,
        "grid": grid,
        "zero_knot_indexes": zero_knot_indexes,
    }


def reference(input, coefficients_vect, grid, zero_knot_indexes):
    size = NUM_W
    g = grid[0]
    lo = -(g * (size // 2))
    hi = g * (size // 2 - 1)
    x_clamped = jnp.clip(input, lo, hi)
    floored_x = jnp.floor(x_clamped / g)
    fracs = x_clamped / g - floored_x
    indexes = (zero_knot_indexes.astype(jnp.float32).reshape(1, -1, 1, 1, 1) + floored_x).astype(jnp.int32)
    out = jnp.take(coefficients_vect, indexes + 1) * fracs + jnp.take(coefficients_vect, indexes) * (1 - fracs)
    out = jnp.where(input < lo, input, out)
    out = jnp.where(input > hi, input, out)
    return out

if __name__ == "__main__":
    import jax
    _d = setup_inputs()
    print(jax.jit(kernel)(*tuple(_d.values())))

</pallas_src>

<mosaic_0001>
#map = affine_map<(d0, d1) -> (0, 0)>
#map1 = affine_map<(d0, d1) -> (0)>
module attributes {stable_mosaic.version = 14 : i64} {
  func.func @sc_fn(%arg0: i32, %arg1: i32, %arg2: memref<2048x6272xf32, #tpu.memory_space<hbm>>, %arg3: memref<16640xf32, #tpu.memory_space<hbm>>, %arg4: memref<16xf32, #tpu.memory_space<hbm>>, %arg5: memref<2048xi32, #tpu.memory_space<hbm>>, %arg6: memref<2048x6272xf32, #tpu.memory_space<hbm>>, %arg7: memref<16640xf32, #tpu.memory_space<vmem>>, %arg8: memref<80xi32, #tpu.memory_space<vmem>>, %arg9: memref<16xf32, #tpu.memory_space<vmem>>, %arg10: memref<6272xf32, #tpu.memory_space<vmem>>, %arg11: memref<6272xf32, #tpu.memory_space<vmem>>) attributes {dimension_semantics = [#tpu.dimension_semantics<core_parallel>, #tpu.dimension_semantics<subcore_parallel>], iteration_bounds = array<i64: 2, 16>, scalar_prefetch = 0 : i64, scratch_operands = 5 : i64, tpu.core_type = #tpu.core_type<sc_vector_subcore>, window_params = [{transform_indices = #map}, {transform_indices = #map1}, {transform_indices = #map1}, {transform_indices = #map1}, {transform_indices = #map}]} {
    %mul3A = arith.constant 2 : i32
    %mul3A_0 = arith.muli %arg1, %mul3A : i32
    %add3A = arith.addi %mul3A_0, %arg0 : i32
    %mul3A_1 = arith.constant 64 : i32
    %mul3A_2 = arith.muli %add3A, %mul3A_1 : i32
    "tpu.region"() ({
      %run_scoped3A = tpu.sem_alloc : memref<!tpu.dma_semaphore, #tpu.memory_space<semaphore_mem>>
      tpu.enqueue_dma source(%arg4 : memref<16xf32, #tpu.memory_space<hbm>>) target(%arg9 : memref<16xf32, #tpu.memory_space<vmem>>) target_semaphore(%run_scoped3A : memref<!tpu.dma_semaphore, #tpu.memory_space<semaphore_mem>>)
      tpu.wait_dma2 semaphore(%run_scoped3A : memref<!tpu.dma_semaphore, #tpu.memory_space<semaphore_mem>>) src(%arg4 : memref<16xf32, #tpu.memory_space<hbm>>) dst(%arg9 : memref<16xf32, #tpu.memory_space<vmem>>)
      tpu.yield
    }) : () -> ()
    "tpu.region"() ({
      %run_scoped3A = tpu.sem_alloc : memref<!tpu.dma_semaphore, #tpu.memory_space<semaphore_mem>>
      %dma_start3A = arith.constant 0 : i32
      %dma_start3A_19 = tpu.memref_slice %arg8[%dma_start3A] : memref<80xi32, #tpu.memory_space<vmem>> -> memref<64xi32, #tpu.memory_space<vmem>>
      %dma_start3A_20 = tpu.memref_slice %arg5[%mul3A_2] : memref<2048xi32, #tpu.memory_space<hbm>> -> memref<64xi32, #tpu.memory_space<hbm>>
      %dma_start3A_21 = arith.constant 0 : i32
      %dma_start3A_22 = tpu.memref_slice %arg8[%dma_start3A_21] : memref<80xi32, #tpu.memory_space<vmem>> -> memref<64xi32, #tpu.memory_space<vmem>>
      %dma_start3A_23 = tpu.memref_slice %arg5[%mul3A_2] : memref<2048xi32, #tpu.memory_space<hbm>> -> memref<64xi32, #tpu.memory_space<hbm>>
      tpu.enqueue_dma source(%dma_start3A_23 : memref<64xi32, #tpu.memory_space<hbm>>) target(%dma_start3A_22 : memref<64xi32, #tpu.memory_space<vmem>>) target_semaphore(%run_scoped3A : memref<!tpu.dma_semaphore, #tpu.memory_space<semaphore_mem>>)
      %dma_wait3A = arith.constant 0 : i32
      %dma_wait3A_24 = tpu.memref_slice %arg8[%dma_wait3A] : memref<80xi32, #tpu.memory_space<vmem>> -> memref<64xi32, #tpu.memory_space<vmem>>
      %dma_wait3A_25 = tpu.memref_slice %arg5[%mul3A_2] : memref<2048xi32, #tpu.memory_space<hbm>> -> memref<64xi32, #tpu.memory_space<hbm>>
      %dma_wait3A_26 = arith.constant 0 : i32
      %dma_wait3A_27 = tpu.memref_slice %arg8[%dma_wait3A_26] : memref<80xi32, #tpu.memory_space<vmem>> -> memref<64xi32, #tpu.memory_space<vmem>>
      %dma_wait3A_28 = tpu.memref_slice %arg5[%mul3A_2] : memref<2048xi32, #tpu.memory_space<hbm>> -> memref<64xi32, #tpu.memory_space<hbm>>
      tpu.wait_dma2 semaphore(%run_scoped3A : memref<!tpu.dma_semaphore, #tpu.memory_space<semaphore_mem>>) src(%dma_wait3A_28 : memref<64xi32, #tpu.memory_space<hbm>>) dst(%dma_wait3A_27 : memref<64xi32, #tpu.memory_space<vmem>>)
      tpu.yield
    }) : () -> ()
    "tpu.region"() ({
      %run_scoped3A = tpu.sem_alloc : memref<!tpu.dma_semaphore, #tpu.memory_space<semaphore_mem>>
      tpu.enqueue_dma source(%arg3 : memref<16640xf32, #tpu.memory_space<hbm>>) target(%arg7 : memref<16640xf32, #tpu.memory_space<vmem>>) target_semaphore(%run_scoped3A : memref<!tpu.dma_semaphore, #tpu.memory_space<semaphore_mem>>)
      tpu.wait_dma2 semaphore(%run_scoped3A : memref<!tpu.dma_semaphore, #tpu.memory_space<semaphore_mem>>) src(%arg3 : memref<16640xf32, #tpu.memory_space<hbm>>) dst(%arg7 : memref<16640xf32, #tpu.memory_space<vmem>>)
      tpu.yield
    }) : () -> ()
    %get3A = arith.constant 0 : index
    %get3A_3 = tpu.vector_load %arg9[%get3A] {strides = array<i32>} : memref<16xf32, #tpu.memory_space<vmem>>, vector<16xf32>,
    %div3A = arith.constant 1.000000e+00 : f32
    %div3A_4 = vector.broadcast %div3A : f32 to vector<16xf32>
    %div3A_5 = arith.divf %div3A_4, %get3A_3 : vector<16xf32>
    %mul3A_6 = arith.constant 3.200000e+01 : f32
    %mul3A_7 = vector.broadcast %mul3A_6 : f32 to vector<16xf32>
    %mul3A_8 = arith.mulf %get3A_3, %mul3A_7 : vector<16xf32>
    %neg3A = arith.constant 0.000000e+00 : f32
    %neg3A_9 = vector.broadcast %neg3A : f32 to vector<16xf32>
    %neg3A_10 = arith.subf %neg3A_9, %mul3A_8 : vector<16xf32>
    %mul3A_11 = arith.constant 3.100000e+01 : f32
    %mul3A_12 = vector.broadcast %mul3A_11 : f32 to vector<16xf32>
    %mul3A_13 = arith.mulf %get3A_3, %mul3A_12 : vector<16xf32>
    %broadcast_in_dim3A = arith.constant 3.200000e+01 : f32
    %broadcast_in_dim3A_14 = vector.broadcast %broadcast_in_dim3A : f32 to vector<16xf32>
    %scan3A = arith.constant 0 : i32
    %scan3A_15 = arith.constant 64 : i32
    %scan3A_16 = arith.addi %scan3A, %scan3A_15 : i32
    %scan3A_17 = arith.constant 1 : i32
    scf.for %scan3A_19 = %scan3A to %scan3A_16 step %scan3A_17  : i32 {
      %mul3A_20 = arith.constant 1 : i32
      %mul3A_21 = arith.muli %scan3A_19, %mul3A_20 : i32
      %add3A_22 = arith.constant 0 : i32
      %add3A_23 = arith.addi %add3A_22, %mul3A_21 : i32
      %add3A_24 = arith.addi %mul3A_2, %add3A_23 : i32
      "tpu.region"() ({
        %run_scoped3A = tpu.sem_alloc : memref<!tpu.dma_semaphore, #tpu.memory_space<semaphore_mem>>
        %dma_start3A = arith.constant 0 : i32
        %dma_start3A_32 = tpu.memref_slice %arg2[%add3A_24, %dma_start3A] : memref<2048x6272xf32, #tpu.memory_space<hbm>> -> memref<1x6272xf32, #tpu.memory_space<hbm>>
        %dma_start3A_33 = tpu.memref_squeeze %dma_start3A_32 : memref<1x6272xf32, #tpu.memory_space<hbm>> -> memref<6272xf32, #tpu.memory_space<hbm>>
        %dma_start3A_34 = arith.constant 0 : i32
        %dma_start3A_35 = tpu.memref_slice %arg2[%add3A_24, %dma_start3A_34] : memref<2048x6272xf32, #tpu.memory_space<hbm>> -> memref<1x6272xf32, #tpu.memory_space<hbm>>
        %dma_start3A_36 = tpu.memref_squeeze %dma_start3A_35 : memref<1x6272xf32, #tpu.memory_space<hbm>> -> memref<6272xf32, #tpu.memory_space<hbm>>
        tpu.enqueue_dma source(%dma_start3A_36 : memref<6272xf32, #tpu.memory_space<hbm>>) target(%arg10 : memref<6272xf32, #tpu.memory_space<vmem>>) target_semaphore(%run_scoped3A : memref<!tpu.dma_semaphore, #tpu.memory_space<semaphore_mem>>)
        %dma_wait3A = arith.constant 0 : i32
        %dma_wait3A_37 = tpu.memref_slice %arg2[%add3A_24, %dma_wait3A] : memref<2048x6272xf32, #tpu.memory_space<hbm>> -> memref<1x6272xf32, #tpu.memory_space<hbm>>
        %dma_wait3A_38 = tpu.memref_squeeze %dma_wait3A_37 : memref<1x6272xf32, #tpu.memory_space<hbm>> -> memref<6272xf32, #tpu.memory_space<hbm>>
        %dma_wait3A_39 = arith.constant 0 : i32
        %dma_wait3A_40 = tpu.memref_slice %arg2[%add3A_24, %dma_wait3A_39] : memref<2048x6272xf32, #tpu.memory_space<hbm>> -> memref<1x6272xf32, #tpu.memory_space<hbm>>
        %dma_wait3A_41 = tpu.memref_squeeze %dma_wait3A_40 : memref<1x6272xf32, #tpu.memory_space<hbm>> -> memref<6272xf32, #tpu.memory_space<hbm>>
        tpu.wait_dma2 semaphore(%run_scoped3A : memref<!tpu.dma_semaphore, #tpu.memory_space<semaphore_mem>>) src(%dma_wait3A_41 : memref<6272xf32, #tpu.memory_space<hbm>>) dst(%arg10 : memref<6272xf32, #tpu.memory_space<vmem>>)
        tpu.yield
      }) : () -> ()
      %get3A_25 = arith.index_cast %add3A_23 : i32 to index
      %get3A_26 = tpu.vector_load %arg8[%get3A_25] {strides = array<i32>} : memref<80xi32, #tpu.memory_space<vmem>>, vector<16xi32>,
      %slice3A = vector.extract_strided_slice %get3A_26 {offsets = [0], sizes = [1], strides = [1]} : vector<16xi32> to vector<1xi32>
      %squeeze3A = vector.extract %slice3A[0] : i32 from vector<1xi32>
      %sub3A = arith.constant 32 : i32
      %sub3A_27 = arith.subi %squeeze3A, %sub3A : i32
      %broadcast_in_dim3A_28 = vector.broadcast %sub3A_27 : i32 to vector<16xi32>
      %parallel_loop3A = arith.constant 0 : i32
      %parallel_loop3A_29 = arith.constant 392 : i32
      %parallel_loop3A_30 = arith.constant 1 : i32
      scf.for %parallel_loop3A_32 = %parallel_loop3A to %parallel_loop3A_29 step %parallel_loop3A_30  : i32 {
        %parallel_loop3A_33 = arith.constant 16 : i32
        %parallel_loop3A_34 = arith.muli %parallel_loop3A_32, %parallel_loop3A_33 : i32
        %parallel_loop3A_35 = arith.index_cast %parallel_loop3A_34 : i32 to index
        %parallel_loop3A_36 = tpu.vector_load %arg10[%parallel_loop3A_35] {strides = array<i32>} : memref<6272xf32, #tpu.memory_space<vmem>>, vector<16xf32>,
        %parallel_loop3A_37 = arith.maximumf %parallel_loop3A_36, %neg3A_10 : vector<16xf32>
        %parallel_loop3A_38 = arith.minimumf %parallel_loop3A_37, %mul3A_13 : vector<16xf32>
        %parallel_loop3A_39 = arith.mulf %parallel_loop3A_38, %div3A_5 : vector<16xf32>
        %parallel_loop3A_40 = arith.addf %parallel_loop3A_39, %broadcast_in_dim3A_14 : vector<16xf32>
        %parallel_loop3A_41 = arith.fptosi %parallel_loop3A_40 : vector<16xf32> to vector<16xi32>
        %parallel_loop3A_42 = arith.sitofp %parallel_loop3A_41 : vector<16xi32> to vector<16xf32>
        %parallel_loop3A_43 = arith.subf %parallel_loop3A_40, %parallel_loop3A_42 : vector<16xf32>
        %parallel_loop3A_44 = arith.addi %broadcast_in_dim3A_28, %parallel_loop3A_41 : vector<16xi32>
        %parallel_loop3A_45 = tpu.vector_load_idx %arg7[%parallel_loop3A_44] : memref<16640xf32, #tpu.memory_space<vmem>>[vector<16xi32>], vector<16xf32>,
        %parallel_loop3A_46 = arith.constant 1 : i32
        %parallel_loop3A_47 = vector.broadcast %parallel_loop3A_46 : i32 to vector<16xi32>
        %parallel_loop3A_48 = arith.addi %parallel_loop3A_44, %parallel_loop3A_47 : vector<16xi32>
        %parallel_loop3A_49 = tpu.vector_load_idx %arg7[%parallel_loop3A_48] : memref<16640xf32, #tpu.memory_space<vmem>>[vector<16xi32>], vector<16xf32>,
        %parallel_loop3A_50 = arith.subf %parallel_loop3A_49, %parallel_loop3A_45 : vector<16xf32>
        %parallel_loop3A_51 = arith.mulf %parallel_loop3A_43, %parallel_loop3A_50 : vector<16xf32>
        %parallel_loop3A_52 = arith.addf %parallel_loop3A_45, %parallel_loop3A_51 : vector<16xf32>
        %parallel_loop3A_53 = arith.cmpf oeq, %parallel_loop3A_36, %parallel_loop3A_38 : vector<16xf32>
        %parallel_loop3A_54 = arith.select %parallel_loop3A_53, %parallel_loop3A_52, %parallel_loop3A_36 : vector<16xi1>, vector<16xf32>
        %parallel_loop3A_55 = arith.index_cast %parallel_loop3A_34 : i32 to index
        %parallel_loop3A_56 = tpu.vector_load %arg11[%parallel_loop3A_55] {strides = array<i32>} : memref<6272xf32, #tpu.memory_space<vmem>>, vector<16xf32>,
        tpu.vector_store %arg11[%parallel_loop3A_55], %parallel_loop3A_54 {strides = array<i32>} : memref<6272xf32, #tpu.memory_space<vmem>>, vector<16xf32>,
      } {sc.loop_unroll_factor = 4 : i64, sc.parallel_access}
      %add3A_31 = arith.addi %mul3A_2, %add3A_23 : i32
      "tpu.region"() ({
        %run_scoped3A = tpu.sem_alloc : memref<!tpu.dma_semaphore, #tpu.memory_space<semaphore_mem>>
        %dma_start3A = arith.constant 0 : i32
        %dma_start3A_32 = tpu.memref_slice %arg6[%add3A_31, %dma_start3A] : memref<2048x6272xf32, #tpu.memory_space<hbm>> -> memref<1x6272xf32, #tpu.memory_space<hbm>>
        %dma_start3A_33 = tpu.memref_squeeze %dma_start3A_32 : memref<1x6272xf32, #tpu.memory_space<hbm>> -> memref<6272xf32, #tpu.memory_space<hbm>>
        %dma_start3A_34 = arith.constant 0 : i32
        %dma_start3A_35 = tpu.memref_slice %arg6[%add3A_31, %dma_start3A_34] : memref<2048x6272xf32, #tpu.memory_space<hbm>> -> memref<1x6272xf32, #tpu.memory_space<hbm>>
        %dma_start3A_36 = tpu.memref_squeeze %dma_start3A_35 : memref<1x6272xf32, #tpu.memory_space<hbm>> -> memref<6272xf32, #tpu.memory_space<hbm>>
        tpu.enqueue_dma source(%arg11 : memref<6272xf32, #tpu.memory_space<vmem>>) target(%dma_start3A_36 : memref<6272xf32, #tpu.memory_space<hbm>>) target_semaphore(%run_scoped3A : memref<!tpu.dma_semaphore, #tpu.memory_space<semaphore_mem>>)
        %dma_wait3A = arith.constant 0 : i32
        %dma_wait3A_37 = tpu.memref_slice %arg6[%add3A_31, %dma_wait3A] : memref<2048x6272xf32, #tpu.memory_space<hbm>> -> memref<1x6272xf32, #tpu.memory_space<hbm>>
        %dma_wait3A_38 = tpu.memref_squeeze %dma_wait3A_37 : memref<1x6272xf32, #tpu.memory_space<hbm>> -> memref<6272xf32, #tpu.memory_space<hbm>>
        %dma_wait3A_39 = arith.constant 0 : i32
        %dma_wait3A_40 = tpu.memref_slice %arg6[%add3A_31, %dma_wait3A_39] : memref<2048x6272xf32, #tpu.memory_space<hbm>> -> memref<1x6272xf32, #tpu.memory_space<hbm>>
        %dma_wait3A_41 = tpu.memref_squeeze %dma_wait3A_40 : memref<1x6272xf32, #tpu.memory_space<hbm>> -> memref<6272xf32, #tpu.memory_space<hbm>>
        tpu.wait_dma2 semaphore(%run_scoped3A : memref<!tpu.dma_semaphore, #tpu.memory_space<semaphore_mem>>) src(%arg11 : memref<6272xf32, #tpu.memory_space<vmem>>) dst(%dma_wait3A_41 : memref<6272xf32, #tpu.memory_space<hbm>>)
        tpu.yield
      }) : () -> ()
    }
    %scan3A_18 = arith.constant 64 : i32
    return
  }
}

</mosaic_0001>

<sc_bundles>
// kernel: kernel.3.cloned.1.call-start
scs
__scs_entry_jumppad:
0x0: {  	(pc) =	sbr.rel $0x88, $3  }
0x1: {  	(tag) =	ssettag $0x0;
	lr =	simm.s32 $0x1  }
0x2: {  	[smem:$0x3F9D] =	sst lr;
	_ =	strace $0xD0000000  }
0x3: {  	_ = 	snop  }
0x4: {  	_ = 	snop  }
0x5: {  	_ = 	snop  }
0x6: {  	_ = 	snop  }
0x7: {  	_ = 	snop  }
__scs_overlays_trampoline_lowered:
0x8: {  	[smem:$0x3FAC] =	sst s0  }
0x9: {  	[smem:$0x3FAD] =	sst s1  }
0xa: {  	[smem:$0x3FAE] =	sst s2  }
0xb: {  	[smem:$0x3FAF] =	sst s3  }
0xc: {  	[smem:$0x3FB0] =	sst s4  }
0xd: {  	[smem:$0x3FB1] =	sst s5  }
0xe: {  	[smem:$0x3FB2] =	sst s6  }
0xf: {  	[smem:$0x3FB3] =	sst s7  }
0x10: {  	[smem:$0x3FB4] =	sst s8  }
0x11: {  	[smem:$0x3FB5] =	sst s9;
	s0 =	simm.s32 @!p0 $0x0  }
0x12: {  	s1 =	sld [smem:$0x3F9B];
	s0 =	simm.s32 @p0 $0x1  }
0x13: {  	[smem:$0x3FB6] =	sst s0;
	s0 =	simm.s32 @!p1 $0x0  }
0x14: {  	s2 =	sld [smem:$0x3F9A];
	s0 =	simm.s32 @p1 $0x1  }
0x15: {  	[smem:$0x3FB7] =	sst s0;
	s0 =	simm.s32 @!p2 $0x0  }
0x16: {  	s3 =	sld [smem:$0x3FDB];
	s0 =	simm.s32 @p2 $0x1  }
0x17: {  	s4 =	simm.s32 $0x1BF5;
	[smem:$0x3FB9] =	sst s0  }
0x18: {  	s0 =	sld [smem:$0x3F9C];
	_ =	swait.ge [sflag:s4], $0x0  }
0x19: {  	s7 =	sld [smem:$0x3F9D]  }
0x1a: {  	s8 =	sadd.s32 $0xFFFFE003, lr  }
0x1b: {  	s9 =	sadd.s32 $0xFFFFFEF7, lr;
	s5 =	simm.s32 $0xFFFFFFFF;
	p2 =	slt.u32 s8, $0xFFFFF086  }
0x1c: {  	p1 =	slt.u32 s9, $0xF7A;
	s5 =	simm.s32 @!p2 $0x0  }
0x1d: {  	s5 =	simm.s32 @p1 $0x1;
	p0 =	seq.s32 s7, s2  }
0x1e: {  	s7 =	smul.u32 @!p0 $0xF7A, s2;
	p2 =	seq.s32 @!p0 s5, $0x0  }
0x1f: {  	s9 =	smul.u32 $0xF7A, s1;
	s8 =	simm.s32 @!p0 $0x1BF5;
	p2 =	por !p2, p0  }
0x20: {  	[sflag:s8] =	ssyncset.s32 @!p0 $0xFFFFF086;
	s6 =	sadd.s32 @!p0 s3, s7;
	s7 =	simm.s32 @!p0 $0x108  }
0x21: {  	s3 =	sadd.s32 s3, s9;
	s6 =	sadd.s32 @!p0 $0x88, s6;
	s7 =	simm.s32 @p2 $0x1082  }
0x22: {  	[simem:s7], [sflag:s8] =	dma.local @!p0 [hbm:s6], $0xF7A  }
0x23: {  	s9 =	sor.u32 $0xD0000000, s2;
	s6 =	simm.s32 $0x108;
	_ =	swait.ge @!p0 [sflag:s8], $0x0  }
0x24: {  	s3 =	sadd.s32 $0x88, s3;
	s6 =	simm.s32 @!p1 $0x1082;
	[sflag:s4] =	ssyncset.s32 $0xFFFFF086  }
0x25: {  	[simem:s6], [sflag:s4] =	dma.local [hbm:s3], $0xF7A  }
0x26: {  	[smem:$0x3F9D] =	sst s1;
	(tag) =	ssettag s2;
	_ =	strace s9  }
0x27: {  	s1 =	sld [smem:$0x3FAD]  }
0x28: {  	s2 =	sld [smem:$0x3FAE]  }
0x29: {  	s4 =	sld [smem:$0x3FB0]  }
0x2a: {  	p0 =	seq.s32 s5, $0x0;
	s5 =	sld [smem:$0x3FB1]  }
0x2b: {  	s6 =	sld [smem:$0x3FB2]  }
0x2c: {  	s7 =	sld [smem:$0x3FB3]  }
0x2d: {  	s3 =	simm.s32 $0x108;
	s8 =	sld [smem:$0x3FB4]  }
0x2e: {  	s3 =	simm.s32 @!p0 $0x1082;
	s9 =	sld [smem:$0x3FB5]  }
0x2f: {  	lr =	sadd.s32 s0, s3;
	s0 =	sld [smem:$0x3FAC]  }
0x30: {  	s3 =	sld [smem:$0x3FAF]  }
0x31: {  	[smem:$0x3FB8] =	sst s10  }
0x32: {  	s10 =	sld [smem:$0x3FB6];
	_ =	sdelay $0x3  }
0x33: {  	p0 =	seq.s32 s10, $0x1;
	s10 =	sld [smem:$0x3FB8];
	_ =	sdelay $0x3  }
0x34: {  	[smem:$0x3FB8] =	sst s10  }
0x35: {  	s10 =	sld [smem:$0x3FB7];
	_ =	sdelay $0x3  }
0x36: {  	p1 =	seq.s32 s10, $0x1;
	s10 =	sld [smem:$0x3FB8];
	_ =	sdelay $0x3  }
0x37: {  	[smem:$0x3FB8] =	sst s10  }
0x38: {  	s10 =	sld [smem:$0x3FB9]  }
0x39: {  	_ = 	snop;
	(pc) =	sbr.ind lr, $3  }
0x3a: {  	_ = 	snop  }
0x3b: {  	_ = 	snop  }
0x3c: {  	p2 =	seq.s32 s10, $0x1;
	s10 =	sld [smem:$0x3FB8]  }
0x3d: {  	_ =	shalt  }
0x3e: {  	_ =	shalt  }
0x3f: {  	_ =	shalt  }
0x40: {  	_ =	shalt  }
0x41: {  	_ =	shalt  }
0x42: {  	_ =	shalt  }
0x43: {  	_ =	shalt  }
0x44: {  	_ =	shalt  }
0x45: {  	_ =	shalt  }
0x46: {  	_ =	shalt  }
0x47: {  	_ =	shalt  }
0x48: {  	_ =	shalt  }
0x49: {  	_ =	shalt  }
0x4a: {  	_ =	shalt  }
0x4b: {  	_ =	shalt  }
0x4c: {  	_ =	shalt  }
0x4d: {  	_ =	shalt  }
0x4e: {  	_ =	shalt  }
0x4f: {  	_ =	shalt  }
0x50: {  	_ =	shalt  }
0x51: {  	_ =	shalt  }
0x52: {  	_ =	shalt  }
0x53: {  	_ =	shalt  }
0x54: {  	_ =	shalt  }
0x55: {  	_ =	shalt  }
0x56: {  	_ =	shalt  }
0x57: {  	_ =	shalt  }
0x58: {  	_ =	shalt  }
0x59: {  	_ =	shalt  }
0x5a: {  	_ =	shalt  }
0x5b: {  	_ =	shalt  }
0x5c: {  	_ =	shalt  }
0x5d: {  	_ =	shalt  }
0x5e: {  	_ =	shalt  }
0x5f: {  	_ =	shalt  }
0x60: {  	_ =	shalt  }
0x61: {  	_ =	shalt  }
0x62: {  	_ =	shalt  }
0x63: {  	_ =	shalt  }
0x64: {  	_ =	shalt  }
0x65: {  	_ =	shalt  }
0x66: {  	_ =	shalt  }
0x67: {  	_ =	shalt  }
0x68: {  	_ =	shalt  }
0x69: {  	_ =	shalt  }
0x6a: {  	_ =	shalt  }
0x6b: {  	_ =	shalt  }
0x6c: {  	_ =	shalt  }
0x6d: {  	_ =	shalt  }
0x6e: {  	_ =	shalt  }
0x6f: {  	_ =	shalt  }
0x70: {  	_ =	shalt  }
0x71: {  	_ =	shalt  }
0x72: {  	_ =	shalt  }
0x73: {  	_ =	shalt  }
0x74: {  	_ =	shalt  }
0x75: {  	_ =	shalt  }
0x76: {  	_ =	shalt  }
0x77: {  	_ =	shalt  }
0x78: {  	_ =	shalt  }
0x79: {  	_ =	shalt  }
0x7a: {  	_ =	shalt  }
0x7b: {  	_ =	shalt  }
0x7c: {  	_ =	shalt  }
0x7d: {  	_ =	shalt  }
0x7e: {  	_ =	shalt  }
0x7f: {  	_ =	shalt  }
0x80: {  	_ =	shalt  }
0x81: {  	_ =	shalt  }
0x82: {  	_ =	shalt  }
0x83: {  	_ =	shalt  }
0x84: {  	_ =	shalt  }
0x85: {  	_ =	shalt  }
0x86: {  	_ =	shalt  }
0x87: {  	_ =	shalt  }
.Lfunc_end0:
.L_simem_size_0:
called_computation.2_lowered:
.L_overlay_start_0:
0x88: {  	s2 =	sld [smem:$0x3FD9]  }
0x89: {  	s3 =	sld [smem:$0x3FFE];
	_ =	sdelay $0x1  }
0x8a: {  	s1 =	srdreg.scid  }
0x8b: {  	s0 =	sand.u32 $0x1, s1  }
0x8c: {  	s17 =	sshll.u32 s0, $0xA;
	s2 =	sadd.s32 s3, s2  }
0x8d: {  	s2 =	sadd.s32 s2, s17  }
0x8e: {  	[smem:$0x3FC4] =	sst s2  }
0x8f: {  	_ = 	snop  }
0x90: {  	s2 =	sld [smem:$0x3FC8]  }
0x91: {  	s18 =	sld [smem:$0x3FD0];
	(tm) =	ssettm $0x1  }
0x92: {  	s4 =	sld [smem:$0x3FFB];
	_ =	sdelay $0x3  }
0x93: {  	_ =	strace s4  }
0x94: {  	s4 =	sld [smem:$0x3FFC];
	_ =	sdelay $0x3  }
0x95: {  	_ =	strace s4  }
0x96: {  	s4 =	sld [smem:$0x3FFD];
	_ =	sdelay $0x3  }
0x97: {  	_ =	strace s4  }
0x98: {  	_ =	strace $0x8FFFFFFF  }
0x99: {  	s19 =	sld [smem:$0x3FDB];
	_ =	sdelay $0x1  }
0x9a: {  	s5 =	simm.s32 $_scs_section_size  }
0x9b: {  	s6 =	simm.s32 $_size__tile_overlayer_lowered;
	s7 =	simm.s32 $_tile_overlayer_lowered  }
0x9c: {  	s22 =	simm.s32 $0x1BFF;
	s21 =	sshll.u32 s7, $0x1;
	s4 =	sadd.s32 s5, s19  }
0x9d: {  	s8 =	simm.s32 $0x0;
	s20 =	sshll.u32 s6, $0x1;
	s6 =	sadd.s32 s21, s4  }
0x9e: {  	[timem:s8], [sflag:s22] =	dma.local [hbm:s6], s20  }
0x9f: {  	_ =	swait.ge [sflag:s22], s20  }
0xa0: {  	s5 =	ssub.s32 $0x0, s20;
	[sflag:s22] =	ssyncset.done $0x0  }
0xa1: {  	[sflag:s22] =	ssyncadd.s32 s5;
	_ =	sdelay $0x1  }
0xa2: {  	s23 =	simm.s32 $0x1B8B  }
0xa3: {  	_ =	swait.ge [sflag:s23], $0x1  }
0xa4: {  	[sflag:s23] =	ssyncset.done $0x0  }
0xa5: {  	s25 =	simm.s32 $0x1B8E;
	s24 =	sld [smem:$0x3FFE];
	[sflag:s23] =	ssyncadd.s32 $0xFFFFFFFF  }
0xa6: {  	s26 =	simm.s32 $execute0_lowered;
	[smem:$0x3FD2] =	sst s25  }
0xa7: {  	s6 =	sshll.u32 s26, $0x1;
	_ =	strace $0x80000049;
	[dreg:$0x1] =	wrdreg $0xFFFFFFFF  }
0xa8: {  	s28 =	simm.s32 $_size_execute0_lowered;
	s4 =	sadd.s32 s4, s6;
	[dreg:$0x0] =	wrdreg $0x0  }
0xa9: {  	s6 =	sshll.u32 s28, $0x1;
	[dreg:$0x2] =	wrdreg s4  }
0xaa: {  	[dreg:$0x3] =	wrdreg s6  }
0xab: {  	[dreg:$0x4] =	wrdreg $0xC0  }
0xac: {  	_ =	task [dreg:s8], $0x5FFFF  }
0xad: {  	[dreg:$0x1] =	wrdreg $0xFFFFFFFF  }
0xae: {  	[dreg:$0x0] =	wrdreg $0x60  }
0xaf: {  	[dreg:$0x2] =	wrdreg s18  }
0xb0: {  	[dreg:$0x3] =	wrdreg s2  }
0xb1: {  	[dreg:$0x4] =	wrdreg s24  }
0xb2: {  	[dreg:$0x5] =	wrdreg $0x9  }
0xb3: {  	_ =	task.clear_ibuf [dreg:s8], $0x6FFFF;
	_ =	strace $0x90000049  }
0xb4: {  	s29 =	simm.s32 $0x9;
	_ =	strace $0x8000004B  }
0xb5: {  	_ =	swait.ge [sflag:s29], $0x1  }
0xb6: {  	[sflag:s29] =	ssyncadd.s32 $0xFFFFFFFF  }
0xb7: {  	_ =	strace $0x9000004B  }
0xb8: {  	_ =	sfence  }
0xb9: {  	s30 =	sld [smem:$0x0];
	_ =	sdelay $0x2  }
0xba: {  	s31 =	sshll.u32 s1, $0xD;
	s1 =	sshrl.u32 s1, $0x2  }
0xbb: {  	s3 =	sand.u32 $0x4000, s31;
	s1 =	sadd.s32 s1, s30  }
0xbc: {  	s0 =	sor.u32 s3, s0;
	s1 =	sshll.u32 s1, $0x11  }
0xbd: {  	s0 =	sor.u32 s1, s0  }
0xbe: {  	s0 =	sadd.s32 $0x8F2B, s0  }
0xbf: {  	[sflag:s0] =	ssyncadd.remote.s32 $0x1  }
0xc0: {  	_ =	sfence.sel $0xFFFF  }
0xc1: {  	[dreg:$0x0] =	wrdreg $0xFFFFFFFF;
	(pc) =	sbr.abs _section_cstart, $3  }
0xc2: {  	[dreg:$0x1] =	wrdreg $0xFFFFFFFF  }
0xc3: {  	_ =	task.clear_ibuf [dreg:s8], $0x2FFFF;
	_ =	strace $0x9FFFFFFF  }
0xc4: {  	(tm) =	ssettm $0x7FFFFFFF  }
0xc5: {  	_ =	shalt  }
tec
execute0_lowered:
.L_overlay_start_1:
0x0: {  	(tag) =	ssettag $0x1  }
0x1: {  	s1 =	rddreg [dreg:$0x0]  }
0x2: {  	s3 =	rddreg [dreg:$0x1]  }
0x3: {  	s7 =	rddreg [dreg:$0x2];
	s4 =	srdreg.scid  }
0x4: {  	s0 =	rddreg [dreg:$0x3];
	s2 =	stileid.u32  }
0x5: {  	s11 =	simm.s32 $0x1;
	s12 =	simm.s32 $0x4100;
	s13 =	simm.s32 $0x80  }
0x6: {  	s14 =	simm.s32 $0x400;
	s15 =	simm.s32 $0x4200;
	s16 =	simm.s32 $0x5A80  }
0x7: {  	s17 =	simm.s32 $0x0;
	s6 =	sand.u32 $0x1, s4;
	s4 =	simm.s32 $0x0  }
0x8: {  	s5 =	sshll.u32 s2, $0x7;
	s8 =	sshll.u32 s6, $0x6;
	[smem:$0x7FF] =	sst s4  }
0x9: {  	s9 =	ssub.s32 $0x2, s6;
	s6 =	sadd.s32 $0x1000, s7;
	s5 =	sor.u32 s8, s5  }
0xa: {  	_ =	strace $0x8000004A;
	s10 =	sshrl.u32 s9, $0x1;
	s8 =	sshrl.u32 s5, $0x3  }
0xb: {  	s9 =	ssub.s32 s9, s10;
	s10 =	simm.s32 $0x4180;
	s8 =	sadd.s32 s8, s7  }
0xc: {  	s7 =	sadd.s32 $0x1200, s7;
	s9 =	smax.u32 s9, $0x1;
	s8 =	sadd.s32 $0x381000, s8  }
.LBB2_1:
0xd: {  	[tilespmem:s10], [sflag:$0x1] =	stream.linear.gather [hbm4b:s6+s4], $0x80, $0x38;
	[tilespmem:$0x7300] =	vst v63  }
0xe: {  	_ =	swait.ge [sflag:s11], $0x80  }
0xf: {  	[sflag:s11] =	ssyncset.done $0x0  }
0x10: {  	[sflag:s11] =	ssyncadd.s32 $0xFFFFFF80  }
0x11: {  	[tilespmem:s12], [sflag:$0x1] =	stream.linear.gather [hbm4b:s8+s4], $0x40, $0x38;
	[tilespmem:$0x7300] =	vst v63  }
0x12: {  	_ =	swait.ge [sflag:s11], $0x40  }
0x13: {  	[sflag:s11] =	ssyncset.done $0x0  }
0x14: {  	[sflag:s11] =	ssyncadd.s32 $0xFFFFFFC0  }
0x15: {  	[tilespmem:s4], [sflag:$0x1] =	stream.linear.gather [hbm4b:s3+s4], $0x4100, $0x38;
	[tilespmem:$0x7300] =	vst v63  }
0x16: {  	_ =	swait.ge [sflag:s11], $0x4100  }
0x17: {  	[sflag:s11] =	ssyncset.done $0x0  }
0x18: {  	[sflag:s11] =	ssyncadd.s32 $0xFFFFBF00  }
0x19: {  	v2 =	vld [tilespmem:$0x4180];
	_ =	sdelay $0x4  }
0x1a: {  	(erf) = vrcp.f32 v2;
	_ =	sdelay $0x6  }
0x1b: {  	v1 =	vmul.f32 $-3.200000000e+01, v2;
	_ =	sdelay $0x1  }
0x1c: {  	s18 =	simm.s32 $0x0;
	v2 =	vmul.f32 $3.100000000e+01, v2;
	v1 =	vadd.f32 $0.0e+00, v1;
	v0 =	vpop (erf)  }
.LBB2_2:
0x1d: {  	s19 =	sor.u32 s5, s18  }
0x1e: {  	s19 =	sshrl.u32 s19, $0x3  }
0x1f: {  	s20 =	sshll.u32 s18, $0x7;
	s19 =	smul.u32 $0xC400, s19  }
0x20: {  	s20 =	sand.u32 $0x380, s20  }
0x21: {  	s19 =	sor.u32 s20, s19  }
0x22: {  	s19 =	sshrl.u32 s19, $0x3  }
0x23: {  	s28 =	sadd.s32 s1, s19  }
0x24: {  	[tilespmem:s15], [sflag:$0x1] =	stream.strided.gather [hbm4b:s28+s13], $0x1880, s14, s13, $0x38;
	[tilespmem:$0x7300] =	vst v63  }
0x25: {  	_ =	swait.ge [sflag:s11], $0x1880  }
0x26: {  	[sflag:s11] =	ssyncset.done $0x0  }
0x27: {  	[sflag:s11] =	ssyncadd.s32 $0xFFFFE780  }
0x28: {  	v3 =	vld [tilespmem:s18+$0x4100];
	_ =	sdelay $0x4  }
0x29: {  	s29 =	simm.s32 $0x4220;
	(v2sf) =	vpush v3, $0x0  }
0x2a: {  	v23 =	vld [tilespmem:s29+$0x10];
	_ =	sdelay $0x1  }
0x2b: {  	v24 =	vld [tilespmem:s29+$0x0];
	_ =	sdelay $0x2  }
0x2c: {  	v3 =	vmax.f32 v23, v1  }
0x2d: {  	v6 =	vmin.f32 v3, v2;
	v3 =	vld [tilespmem:s29+$0xFFFFFFF0]  }
0x2e: {  	v5 =	vmax.f32 v24, v1;
	v4 =	vmul.f32 v6, v0  }
0x2f: {  	v7 =	vmin.f32 v5, v2  }
0x30: {  	v5 =	vmul.f32 v7, v0;
	v10 =	vadd.f32 $3.200000000e+01, v4;
	v4 =	vld [tilespmem:s29+$0xFFFFFFE0];
	_ =	sdelay $0x1  }
0x31: {  	v11 =	vadd.f32 $3.200000000e+01, v5;
	v5 =	vmax.f32 v3, v1  }
0x32: {  	v15 =	vmin.f32 v5, v2  }
0x33: {  	vm0 =	veq.f32 v23, v6;
	v17 =	vmul.f32 v15, v0  }
0x34: {  	v8 =	vtrunc.f32 v10;
	v13 =	vtrunc.f32 v11;
	v5 =	vmax.f32 v4, v1;
	s21 =	spop (v2sf)  }
0x35: {  	v12 =	vcvt.f32.s32 v8;
	v18 =	vmin.f32 v5, v2;
	v17 =	vadd.f32 $3.200000000e+01, v17;
	s30 =	sadd.s32 $0xFFFFFFE0, s21  }
0x36: {  	v13 =	vcvt.f32.s32 v13;
	v20 =	vmul.f32 v18, v0;
	v8 =	vmov s30  }
0x37: {  	vm4 =	veq.f32 v24, v7;
	v22 =	vtrunc.f32 v17;
	v14 =	vadd.s32 v12, v8  }
0x38: {  	s31 =	simm.s32 $0x4260;
	v20 =	vadd.f32 $3.200000000e+01, v20;
	v9 =	vadd.s32 $0x1, v8;
	v21 =	vadd.s32 v13, v8  }
0x39: {  	v6 =	vld [tilespmem:s31+$0x0];
	v22 =	vcvt.f32.s32 v22;
	v16 =	vadd.s32 v12, v9;
	v12 =	vcvt.s32.f32 v12  }
0x3a: {  	v5 =	vld [tilespmem:s31+$0x10];
	v7 =	vtrunc.f32 v20;
	v19 =	vadd.s32 v13, v9;
	v13 =	vcvt.s32.f32 v13  }
0x3b: {  	v26 =	vsub.f32 v10, v12;
	v12 =	vcvt.f32.s32 v7;
	v7 =	vld [tilespmem:s31+$0xFFFFFFE0]  }
0x3c: {  	v11 =	vsub.f32 v11, v13;
	v13 =	vadd.s32 v22, v8;
	v14 =	vld.idx.msk [tilespmem:v14+s4+$0x0], $0xffff  }
0x3d: {  	vm3 =	vmmov vm0;
	vm1 =	veq.f32 v4, v18;
	v18 =	vadd.s32 v22, v9;
	v27 =	vld.idx.msk [tilespmem:v21+s4+$0x0], $0xffff  }
0x3e: {  	vm0 =	veq.f32 v3, v15;
	v15 =	vcvt.s32.f32 v22;
	v21 =	vadd.s32 v12, v8;
	v25 =	vld.idx.msk [tilespmem:v16+s4+$0x0], $0xffff  }
0x3f: {  	v22 =	vadd.s32 v12, v9;
	v12 =	vcvt.s32.f32 v12;
	v19 =	vld.idx.msk [tilespmem:v19+s4+$0x0], $0xffff;
	v16 =	vmax.f32 v5, v1  }
0x40: {  	v10 =	vld [tilespmem:s31+$0xFFFFFFF0];
	v28 =	vmin.f32 v16, v2  }
0x41: {  	v16 =	vsub.f32 v17, v15;
	v17 =	vsub.f32 v20, v12;
	v29 =	vmul.f32 v28, v0;
	v12 =	vld.idx.msk [tilespmem:v13+s4+$0x0], $0xffff  }
0x42: {  	v15 =	vmax.f32 v6, v1;
	vm2 =	veq.f32 v5, v28;
	v28 =	vld.idx.msk [tilespmem:v18+s4+$0x0], $0xffff  }
0x43: {  	v15 =	vmin.f32 v15, v2;
	v13 =	vadd.f32 $3.200000000e+01, v29  }
0x44: {  	v20 =	vsub.f32 v25, v14;
	v25 =	vmul.f32 v15, v0;
	v19 =	vsub.f32 v19, v27  }
0x45: {  	v30 =	vmax.f32 v10, v1;
	v29 =	vmax.f32 v7, v1;
	v18 =	vld.idx.msk [tilespmem:v21+s4+$0x0], $0xffff;
	v21 =	vtrunc.f32 v13  }
0x46: {  	v26 =	vmul.f32 v26, v20;
	v20 =	vadd.f32 $3.200000000e+01, v25;
	v19 =	vmul.f32 v11, v19  }
0x47: {  	v31 =	vld.idx.msk [tilespmem:v22+s4+$0x0], $0xffff;
	v11 =	vmin.f32 v29, v2;
	v21 =	vcvt.f32.s32 v21;
	v28 =	vsub.f32 v28, v12  }
0x48: {  	v29 =	vadd.f32 v26, v14;
	v14 =	vmin.f32 v30, v2;
	v26 =	vtrunc.f32 v20  }
0x49: {  	v27 =	vadd.f32 v19, v27;
	v19 =	vmul.f32 v11, v0;
	v25 =	vadd.s32 v21, v8  }
0x4a: {  	v22 =	vadd.s32 v21, v9;
	v30 =	vmul.f32 v14, v0;
	v26 =	vcvt.f32.s32 v26  }
0x4b: {  	s20 =	simm.s32 $0x5AA0;
	v19 =	vadd.f32 $3.200000000e+01, v19;
	v32 =	vsel vm4, v27, v24;
	v23 =	vsel vm3, v29, v23  }
0x4c: {  	s22 =	simm.s32 $0x4;
	s23 =	simm.s32 $0x42A0;
	s21 =	simm.s32 $0x5AA0;
	v29 =	vsub.f32 v31, v18;
	v24 =	vadd.s32 v26, v8;
	v27 =	vadd.s32 v26, v9;
	[tilespmem:s20+$0x0] =	vst v32  }
.LBB2_3:
0x4d: {  	v30 =	vadd.f32 $3.200000000e+01, v30  }
0x4e: {  	v31 =	vld [tilespmem:s23+$0x10];
	s22 =	sadd.s32 $0x4, s22;
	v26 =	vcvt.s32.f32 v26;
	v16 =	vmul.f32 v16, v28;
	[tilespmem:s20+$0x10] =	vst v23;
	s21 =	sadd.s32 $0x40, s21;
	vm3 =	vmmov vm2  }
0x4f: {  	vm4 =	veq.f32 v6, v15;
	v15 =	vcvt.s32.f32 v21;
	p0 =	slt.u32 s22, $0x184;
	v23 =	vld.idx.msk [tilespmem:v25+s4+$0x0], $0xffff;
	v17 =	vmul.f32 v17, v29  }
0x50: {  	v29 =	vld [tilespmem:s23+$0x0];
	v21 =	vtrunc.f32 v30;
	v25 =	vsub.f32 v20, v26;
	v12 =	vadd.f32 v16, v12  }
0x51: {  	v20 =	vsub.f32 v13, v15;
	v16 =	vcvt.f32.s32 v21;
	v13 =	vld.idx.msk [tilespmem:v22+s4+$0x0], $0xffff;
	v15 =	vadd.f32 v17, v18  }
0x52: {  	v17 =	vtrunc.f32 v19;
	v18 =	vld.idx.msk [tilespmem:v27+s4+$0x0], $0xffff;
	v12 =	vsel vm0, v12, v3;
	vm0 =	veq.f32 v10, v14;
	v3 =	vmovc v10  }
0x53: {  	v14 =	vcvt.f32.s32 v17;
	v21 =	vadd.s32 v16, v8;
	v22 =	vld.idx.msk [tilespmem:v24+s4+$0x0], $0xffff;
	v10 =	vsel vm1, v15, v4;
	[tilespmem:s20+$0xFFFFFFF0] =	vst v12  }
0x54: {  	vm1 =	veq.f32 v7, v11;
	v11 =	vcvt.s32.f32 v16;
	v24 =	vadd.s32 v16, v9;
	v4 =	vmovc v7;
	[tilespmem:s20+$0xFFFFFFE0] =	vst v10;
	v7 =	vld [tilespmem:s23+$0xFFFFFFE0];
	s20 =	smov.u32 s21  }
0x55: {  	v12 =	vmax.f32 v31, v1;
	v26 =	vadd.s32 v14, v8;
	v27 =	vadd.s32 v14, v9;
	v10 =	vld [tilespmem:s23+$0xFFFFFFF0]  }
0x56: {  	v12 =	vmin.f32 v12, v2;
	v14 =	vcvt.s32.f32 v14;
	v16 =	vsub.f32 v30, v11  }
0x57: {  	v11 =	vmax.f32 v29, v1;
	v28 =	vmul.f32 v12, v0;
	vm2 =	veq.f32 v31, v12  }
0x58: {  	v15 =	vmin.f32 v11, v2;
	v17 =	vsub.f32 v19, v14;
	v11 =	vsub.f32 v13, v23;
	v12 =	vld.idx.msk [tilespmem:v21+s4+$0x0], $0xffff  }
0x59: {  	v14 =	vmul.f32 v15, v0;
	v13 =	vadd.f32 $3.200000000e+01, v28;
	v21 =	vsub.f32 v18, v22;
	v19 =	vld.idx.msk [tilespmem:v24+s4+$0x0], $0xffff  }
0x5a: {  	v24 =	vmax.f32 v7, v1;
	v28 =	vmax.f32 v10, v1;
	v18 =	vld.idx.msk [tilespmem:v26+s4+$0x0], $0xffff;
	v26 =	vmul.f32 v20, v11  }
0x5b: {  	v20 =	vadd.f32 $3.200000000e+01, v14;
	v14 =	vtrunc.f32 v13;
	v25 =	vmul.f32 v25, v21;
	v32 =	vld.idx.msk [tilespmem:v27+s4+$0x0], $0xffff  }
0x5c: {  	v11 =	vmin.f32 v24, v2;
	v21 =	vcvt.f32.s32 v14;
	v23 =	vadd.f32 v26, v23  }
.Ltmp0:
0x5d: {  	v14 =	vmin.f32 v28, v2;
	v24 =	vtrunc.f32 v20;
	v27 =	vadd.f32 v25, v22;
	(pc) =	sbr.rel @p0 .LBB2_3-.Ltmp0, $4  }
0x5e: {  	v33 =	vmul.f32 v11, v0;
	v25 =	vadd.s32 v21, v8;
	v22 =	vadd.s32 v21, v9  }
0x5f: {  	v30 =	vmul.f32 v14, v0;
	v26 =	vcvt.f32.s32 v24;
	v28 =	vsub.f32 v19, v12  }
0x60: {  	v19 =	vadd.f32 $3.200000000e+01, v33;
	v33 =	vsel vm4, v27, v6;
	v23 =	vsel vm3, v23, v5;
	v5 =	vmovc v31;
	v6 =	vmovc v29  }
0x61: {  	s23 =	sadd.s32 $0x40, s23;
	v24 =	vadd.s32 v26, v8;
	v27 =	vadd.s32 v26, v9;
	v29 =	vsub.f32 v32, v18;
	[tilespmem:s21+$0x0] =	vst v33  }
0x62: {  	v30 =	vadd.f32 $3.200000000e+01, v30;
	v32 =	vtrunc.f32 v19  }
0x63: {  	v32 =	vcvt.f32.s32 v32  }
0x64: {  	v31 =	vtrunc.f32 v30  }
0x65: {  	v31 =	vcvt.f32.s32 v31;
	v53 =	vadd.s32 v32, v8  }
0x66: {  	v25 =	vld.idx.msk [tilespmem:v25+s4+$0x0], $0xffff;
	v54 =	vadd.s32 v32, v9  }
0x67: {  	v22 =	vld.idx.msk [tilespmem:v22+s4+$0x0], $0xffff;
	v33 =	vadd.s32 v31, v8  }
0x68: {  	v27 =	vld.idx.msk [tilespmem:v27+s4+$0x0], $0xffff;
	v34 =	vadd.s32 v31, v9  }
0x69: {  	v24 =	vld.idx.msk [tilespmem:v24+s4+$0x0], $0xffff  }
0x6a: {  	v8 =	vld.idx.msk [tilespmem:v53+s4+$0x0], $0xffff  }
0x6b: {  	v9 =	vld.idx.msk [tilespmem:v54+s4+$0x0], $0xffff  }
0x6c: {  	v16 =	vmul.f32 v16, v28;
	v26 =	vcvt.s32.f32 v26;
	v33 =	vld.idx.msk [tilespmem:v33+s4+$0x0], $0xffff  }
0x6d: {  	v21 =	vcvt.s32.f32 v21;
	vm3 =	veq.f32 v6, v15;
	v34 =	vld.idx.msk [tilespmem:v34+s4+$0x0], $0xffff  }
0x6e: {  	v17 =	vmul.f32 v17, v29;
	v20 =	vsub.f32 v20, v26;
	v12 =	vadd.f32 v16, v12  }
0x6f: {  	v13 =	vsub.f32 v13, v21;
	v57 =	vcvt.s32.f32 v32;
	v56 =	vsub.f32 v27, v24  }
0x70: {  	v17 =	vadd.f32 v17, v18;
	v55 =	vcvt.s32.f32 v31;
	v58 =	vsub.f32 v22, v25  }
0x71: {  	v18 =	vsub.f32 v19, v57;
	v16 =	vmul.f32 v20, v56;
	v9 =	vsub.f32 v9, v8  }
0x72: {  	v15 =	vsub.f32 v30, v55;
	v13 =	vmul.f32 v13, v58;
	v59 =	vsub.f32 v34, v33  }
0x73: {  	[tilespmem:s20+$0x10] =	vst v23;
	v3 =	vsel vm0, v12, v3;
	v60 =	vadd.f32 v16, v24;
	v9 =	vmul.f32 v18, v9  }
0x74: {  	v4 =	vsel vm1, v17, v4;
	[tilespmem:s20+$0xFFFFFFF0] =	vst v3;
	v3 =	vadd.f32 v13, v25;
	v15 =	vmul.f32 v15, v59  }
0x75: {  	s21 =	sadd.s32 $0x40, s21;
	vm13 =	vmmov vm2;
	[tilespmem:s20+$0xFFFFFFE0] =	vst v4;
	v61 =	vsel vm3, v60, v6;
	v63 =	vadd.f32 v9, v8  }
0x76: {  	vm15 =	veq.f32 v7, v11;
	v3 =	vsel vm13, v3, v5;
	[tilespmem:s21+$0x0] =	vst v61;
	v62 =	vadd.f32 v15, v33  }
0x77: {  	vm14 =	veq.f32 v10, v14;
	s18 =	sadd.s32 $0x1, s18;
	[tilespmem:s21+$0x10] =	vst v3;
	v4 =	vsel vm15, v63, v7  }
0x78: {  	p0 =	sne.s32 s18, $0x40;
	[tilespmem:s21+$0xFFFFFFE0] =	vst v4;
	v3 =	vsel vm14, v62, v10  }
.Ltmp1:
0x79: {  	s19 =	sadd.s32 s7, s19;
	[tilespmem:s21+$0xFFFFFFF0] =	vst v3;
	(pc) =	sbr.rel @p0 .LBB2_2-.Ltmp1, $4  }
0x7a: {  	[hbm4b:s19+s13] =	stream.strided.scatter [tilespmem:s16], [sflag:$0x1], $0x1880, s14, s13, $0x38;
	[tilespmem:$0x7300] =	vst v63  }
0x7b: {  	_ =	swait.ge [sflag:s11], $0x1880  }
0x7c: {  	[sflag:s11] =	ssyncset.done $0x0  }
0x7d: {  	[sflag:s11] =	ssyncadd.s32 $0xFFFFE780  }
0x7e: {  	s17 =	sadd.s32 $0x1, s17  }
0x7f: {  	p0 =	sne.s32 s17, s9  }
.Ltmp2:
0x80: {  	_ = 	snop;
	(pc) =	sbr.rel @p0 .LBB2_1-.Ltmp2, $1  }
0x81: {  	_ =	sdelay $0x3  }
0x82: {  	_ =	sfence.sel $0x180000  }
0x83: {  	[bflag:$0x0] =	sbarrier.arrive $0xFFFF  }
0x84: {  	p0 =	sne.s32 s2, $0x0;
	_ =	strace $0x9000004A  }
0x85: {  	s0 =	sadd.s32 @!p0 $0x100000, s0;
	[bflag:$0x2] =	sbarrier.arrive $0xFFFF  }
0x86: {  	[sflag:s0] =	ssyncadd.tile.s32 @!p0 $0x1;
	_ =	shalt  }
.Lfunc_end2:
_tile_overlayer_lowered:
.L_overlay_start_2:
0x87: {  	(tag) =	ssettag $0x2  }
0x88: {  	s0 =	rddreg [dreg:$0x0];
	s2 =	stileid.u32  }
0x89: {  	s1 =	rddreg [dreg:$0x1];
	p0 =	sne.s32 s2, $0x0  }
0x8a: {  	s3 =	rddreg [dreg:$0x2];
	[bflag:$0x3] =	sbarrier.arrive $0xFFFF;
	s2 =	simm.s32 @!p0 $0x1C01  }
0x8b: {  	[timem:s3], [sflag:s2] =	dma.local @!p0 [hbm:s0], s1  }
0x8c: {  	s0 =	simm.s32 @!p0 $0x1  }
0x8d: {  	_ =	swait.ge @!p0 [sflag:s0], s1  }
0x8e: {  	s1 =	ssub.s32 @!p0 $0x0, s1;
	[sflag:s0] =	ssyncset.done @!p0 $0x0  }
0x8f: {  	[sflag:s0] =	ssyncadd.s32 @!p0 s1  }
0x90: {  	[bflag:$0x3] =	sbarrier.arrive $0xFFFF  }
0x91: {  	_ =	shalt  }

// kernel: sparse-core-data-format-call.1.cloned.1.call-start
scs
called_computation.1_lowered:
.L_overlay_start_0:
0x0: {  	s2 =	sld [smem:$0x3FD9]  }
0x1: {  	s3 =	sld [smem:$0x3FFE];
	_ =	sdelay $0x1  }
0x2: {  	s1 =	srdreg.scid  }
0x3: {  	s0 =	sand.u32 $0x1, s1  }
0x4: {  	s18 =	sshll.u32 s0, $0xA;
	s2 =	sadd.s32 s3, s2  }
0x5: {  	s2 =	sadd.s32 s2, s18  }
0x6: {  	[smem:$0x3FC4] =	sst s2  }
0x7: {  	_ = 	snop  }
0x8: {  	s2 =	sld [smem:$0x3FC9];
	(tm) =	ssettm $0x1  }
0x9: {  	s19 =	sld [smem:$0x3FFB];
	_ =	sdelay $0x3  }
0xa: {  	_ =	strace s19  }
0xb: {  	s3 =	sld [smem:$0x3FFC];
	_ =	sdelay $0x3  }
0xc: {  	_ =	strace s3  }
0xd: {  	s3 =	sld [smem:$0x3FFD];
	_ =	sdelay $0x3  }
0xe: {  	_ =	strace s3  }
0xf: {  	_ =	strace $0x8FFFFFFF  }
0x10: {  	s20 =	sld [smem:$0x3FDB];
	_ =	sdelay $0x1  }
0x11: {  	s4 =	simm.s32 $_scs_section_size  }
0x12: {  	s5 =	simm.s32 $_size__tile_overlayer_lowered;
	s6 =	simm.s32 $_tile_overlayer_lowered  }
0x13: {  	s23 =	simm.s32 $0x1BFF;
	s22 =	sshll.u32 s6, $0x1;
	s3 =	sadd.s32 s4, s20  }
0x14: {  	s7 =	simm.s32 $0x0;
	s21 =	sshll.u32 s5, $0x1;
	s5 =	sadd.s32 s22, s3  }
0x15: {  	[timem:s7], [sflag:s23] =	dma.local [hbm:s5], s21  }
0x16: {  	_ =	swait.ge [sflag:s23], s21  }
0x17: {  	s4 =	ssub.s32 $0x0, s21;
	[sflag:s23] =	ssyncset.done $0x0  }
0x18: {  	[sflag:s23] =	ssyncadd.s32 s4;
	_ =	sdelay $0x1  }
0x19: {  	s24 =	simm.s32 $0x1B8B  }
0x1a: {  	_ =	swait.ge [sflag:s24], $0x1  }
0x1b: {  	[sflag:s24] =	ssyncset.done $0x0  }
0x1c: {  	s26 =	simm.s32 $0x1B8E;
	s25 =	sld [smem:$0x3FFE];
	[sflag:s24] =	ssyncadd.s32 $0xFFFFFFFF  }
0x1d: {  	s27 =	simm.s32 $execute0_lowered;
	[smem:$0x3FD2] =	sst s26  }
0x1e: {  	s5 =	sshll.u32 s27, $0x1;
	_ =	strace $0x80000046;
	[dreg:$0x1] =	wrdreg $0xFFFFFFFF  }
0x1f: {  	s28 =	simm.s32 $_size_execute0_lowered;
	s3 =	sadd.s32 s3, s5;
	[dreg:$0x0] =	wrdreg $0x0  }
0x20: {  	s5 =	sshll.u32 s28, $0x1;
	[dreg:$0x2] =	wrdreg s3  }
0x21: {  	[dreg:$0x3] =	wrdreg s5  }
0x22: {  	[dreg:$0x4] =	wrdreg $0xC0  }
0x23: {  	_ =	task [dreg:s7], $0x5FFFF  }
0x24: {  	[dreg:$0x1] =	wrdreg $0xFFFFFFFF  }
0x25: {  	[dreg:$0x0] =	wrdreg $0x60  }
0x26: {  	[dreg:$0x2] =	wrdreg s2  }
0x27: {  	[dreg:$0x3] =	wrdreg s25  }
0x28: {  	[dreg:$0x4] =	wrdreg $0x9  }
0x29: {  	_ =	task.clear_ibuf [dreg:s7], $0x5FFFF;
	_ =	strace $0x90000046  }
0x2a: {  	s29 =	simm.s32 $0x9;
	_ =	strace $0x80000048  }
0x2b: {  	_ =	swait.ge [sflag:s29], $0x1  }
0x2c: {  	[sflag:s29] =	ssyncadd.s32 $0xFFFFFFFF  }
0x2d: {  	_ =	strace $0x90000048  }
0x2e: {  	_ =	sfence  }
0x2f: {  	s30 =	sld [smem:$0x0];
	_ =	sdelay $0x2  }
0x30: {  	s31 =	sshll.u32 s1, $0xD;
	s1 =	sshrl.u32 s1, $0x2  }
0x31: {  	s3 =	sand.u32 $0x4000, s31;
	s1 =	sadd.s32 s1, s30  }
0x32: {  	s0 =	sor.u32 s3, s0;
	s1 =	sshll.u32 s1, $0x11  }
0x33: {  	s0 =	sor.u32 s1, s0  }
0x34: {  	s0 =	sadd.s32 $0x8F2B, s0  }
0x35: {  	[sflag:s0] =	ssyncadd.remote.s32 $0x1  }
0x36: {  	_ =	sfence.sel $0xFFFF  }
0x37: {  	[dreg:$0x0] =	wrdreg $0xFFFFFFFF;
	(pc) =	sbr.abs _section_cstart, $3  }
0x38: {  	[dreg:$0x1] =	wrdreg $0xFFFFFFFF  }
0x39: {  	_ =	task.clear_ibuf [dreg:s7], $0x2FFFF;
	_ =	strace $0x9FFFFFFF  }
0x3a: {  	(tm) =	ssettm $0x7FFFFFFF  }
0x3b: {  	_ =	shalt  }
tec
execute0_lowered:
.L_overlay_start_1:
0x0: {  	(tag) =	ssettag $0x1  }
0x1: {  	s2 =	rddreg [dreg:$0x0];
	s0 =	stileid.u32  }
0x2: {  	s1 =	srdreg.scid;
	s5 =	rddreg [dreg:$0x1]  }
0x3: {  	s31 =	simm.s32 $0x2;
	s18 =	simm.s32 $0x0;
	p0 =	por $0x0, $0x0  }
0x4: {  	s10 =	simm.s32 $0x40;
	s11 =	simm.s32 $0x3800;
	s16 =	simm.s32 $0x0  }
0x5: {  	s17 =	simm.s32 $0x0;
	s15 =	simm.s32 $0x0;
	s4 =	sshrl.u32 s0, $0x3  }
0x6: {  	s3 =	sand.u32 $0x1, s1;
	s1 =	rddreg [dreg:$0x2];
	s6 =	ssub.s32 $0x2, s4  }
0x7: {  	_ =	strace $0x80000047;
	s7 =	ssub.s32 $0x38, s3;
	s8 =	sshrl.u32 s6, $0x1  }
.Ltmp0:
0x8: {  	s6 =	sand.u32 $0x1, s6;
	s9 =	sshrl.u32 s7, $0x1;
	(pc) =	sbr.rel .LBB1_1-.Ltmp0, $4  }
0x9: {  	s5 =	sadd.s32 $0x1000, s5;
	s8 =	sadd.s32 s6, s8;
	s7 =	ssub.s32 s7, s9  }
0xa: {  	s12 =	smov.u32 s3;
	s6 =	simm.s32 $0x1;
	s7 =	smul.u32 s8, s7  }
0xb: {  	s13 =	smov.u32 s4;
	s8 =	sand.u32 $0x7, s0;
	[sflag:s6] =	ssyncpa.u1 $0x0  }
0xc: {  	[sflag:s31] =	ssyncpa.u1 $0x0;
	s14 =	smov.u32 s8;
	s9 =	sadd.s32 $0x1, s7  }
.LBB1_4:
0xd: {  	_ = 	snop  }
0xe: {  	[tilespmem:s23+$0x1860 ss:$0x41] =	vst.msk $0xffff, v8  }
0xf: {  	[tilespmem:s23+$0x1C70 ss:$0x41] =	vst.msk $0xffff, v7  }
0x10: {  	[tilespmem:s23+$0x2490 ss:$0x41] =	vst.msk $0xffff, v1  }
0x11: {  	s26 =	sor.u32 s29, s28;
	v47 =	vld.idx.msk [tilespmem:v0+s21+$0x470 ss:$0x1], $0xffff;
	[tilespmem:s23+$0x28A0 ss:$0x41] =	vst.msk $0xffff, v2  }
0x12: {  	[tilespmem:s23+$0x2CB0 ss:$0x41] =	vst.msk $0xffff, v3;
	v57 =	vld.idx.msk [tilespmem:v0+s26+$0x410 ss:$0x1], $0xffff  }
0x13: {  	[tilespmem:s23+$0x30C0 ss:$0x41] =	vst.msk $0xffff, v4;
	v58 =	vld.idx.msk [tilespmem:v0+s26+$0x420 ss:$0x1], $0xffff  }
0x14: {  	[tilespmem:s23+$0x34D0 ss:$0x41] =	vst.msk $0xffff, v5;
	v59 =	vld.idx.msk [tilespmem:v0+s26+$0x430 ss:$0x1], $0xffff  }
0x15: {  	s30 =	sshra.s32 s24, $0x2;
	[tilespmem:s23+$0x38E0 ss:$0x41] =	vst.msk $0xffff, v6;
	v60 =	vld.idx.msk [tilespmem:v0+s26+$0x440 ss:$0x1], $0xffff  }
0x16: {  	s27 =	sand.u32 $0x3B00, s26;
	s21 =	sadd.s32 s30, s22;
	v61 =	vld.idx.msk [tilespmem:v0+s26+$0x450 ss:$0x1], $0xffff;
	[tilespmem:s23+$0x3CF0 ss:$0x41] =	vst.msk $0xffff, v47  }
0x17: {  	s25 =	sand.u32 $0x80, s25;
	v62 =	vld.idx.msk [tilespmem:v0+s26+$0x460 ss:$0x1], $0xffff;
	s20 =	sadd.s32 s27, s20;
	[tilespmem:s21+$0x2490 ss:$0x41] =	vst.msk $0xffff, v57  }
0x18: {  	v63 =	vld.idx.msk [tilespmem:v0+s26+$0x470 ss:$0x1], $0xffff;
	s20 =	sadd.s32 s25, s20;
	[tilespmem:s21+$0x28A0 ss:$0x41] =	vst.msk $0xffff, v58  }
0x19: {  	v48 =	vld [tilespmem:s20+$0x400];
	[tilespmem:s21+$0x2CB0 ss:$0x41] =	vst.msk $0xffff, v59  }
0x1a: {  	v49 =	vld [tilespmem:s20+$0x0];
	[tilespmem:s21+$0x30C0 ss:$0x41] =	vst.msk $0xffff, v60  }
0x1b: {  	v50 =	vld [tilespmem:s20+$0x10];
	[tilespmem:s21+$0x34D0 ss:$0x41] =	vst.msk $0xffff, v61  }
0x1c: {  	v51 =	vld [tilespmem:s20+$0x20];
	[tilespmem:s21+$0x38E0 ss:$0x41] =	vst.msk $0xffff, v62  }
0x1d: {  	v52 =	vld [tilespmem:s20+$0x30];
	[tilespmem:s21+$0x3CF0 ss:$0x41] =	vst.msk $0xffff, v63  }
0x1e: {  	v53 =	vld [tilespmem:s20+$0x40];
	[tilespmem:s21+$0x2080 ss:$0x41] =	vst.msk $0xffff, v48  }
0x1f: {  	s18 =	sand.u32 $0x1FFFFFF, s18;
	v54 =	vld [tilespmem:s20+$0x50];
	[tilespmem:s21+$0x0 ss:$0x41] =	vst.msk $0xffff, v49  }
0x20: {  	s31 =	smulhi.u32 $0x4924925, s18;
	v55 =	vld [tilespmem:s20+$0x60];
	[tilespmem:s21+$0x410 ss:$0x41] =	vst.msk $0xffff, v50  }
0x21: {  	s17 =	smul.u32 $0x70000, s17;
	v56 =	vld [tilespmem:s20+$0x70];
	[tilespmem:s21+$0x820 ss:$0x41] =	vst.msk $0xffff, v51  }
0x22: {  	s20 =	smul.u32 $0x38, s31;
	[tilespmem:s21+$0xC30 ss:$0x41] =	vst.msk $0xffff, v52  }
0x23: {  	s16 =	smul.u32 $0x380, s16;
	[tilespmem:s21+$0x1040 ss:$0x41] =	vst.msk $0xffff, v53  }
0x24: {  	s17 =	sadd.s32 s5, s17;
	s18 =	ssub.s32 s18, s20;
	[tilespmem:s21+$0x1450 ss:$0x41] =	vst.msk $0xffff, v54  }
0x25: {  	s16 =	sadd.s32 s16, s17;
	s18 =	sshll.u32 s18, $0x4;
	[tilespmem:s21+$0x1860 ss:$0x41] =	vst.msk $0xffff, v55  }
0x26: {  	s16 =	sadd.s32 s18, s16;
	[tilespmem:s21+$0x1C70 ss:$0x41] =	vst.msk $0xffff, v56  }
0x27: {  	[hbm4b:s16+s10] =	stream.strided.scatter [tilespmem:s19], [sflag:$0x2], $0x4000, s11, s10, $0x18;
	[tilespmem:$0x10200] =	vst v63  }
.LBB1_5:
0x28: {  	s19 =	sadd.s32 $0x2, s12  }
0x29: {  	s16 =	sadd.s32 $0x2, s13;
	s20 =	smov.u32 s13;
	p2 =	sgt.s32 s19, $0x37  }
0x2a: {  	s20 =	smov.u32 @p2 s16  }
0x2b: {  	s22 =	smov.u32 s14;
	s16 =	sadd.s32 $0x8, s14;
	p3 =	sgt.s32 s20, $0x1  }
0x2c: {  	s22 =	smov.u32 @p3 s16  }
0x2d: {  	s19 =	smov.u32 @p2 s3;
	p2 =	sgt.s32 s22, $0x7  }
0x2e: {  	p1 =	slt.u32 s15, $0x2;
	s22 =	smov.u32 @p2 s8;
	p2 =	sne.s32 s15, s9  }
.Ltmp1:
0x2f: {  	s21 =	simm.s32 @!p1 $0x2;
	(pc) =	sbr.rel @!p2 .LBB1_6-.Ltmp1, $4  }
0x30: {  	s18 =	smov.u32 s12;
	s17 =	smov.u32 s14;
	_ =	swait.ge @!p1 [sflag:s21], $0x4000  }
0x31: {  	p0 =	por !p0, !p0;
	[sflag:s21] =	ssyncset.done @!p1 $0x0;
	s12 =	smov.u32 s19  }
0x32: {  	s20 =	smov.u32 @p3 s4;
	s16 =	smov.u32 s13;
	[sflag:s21] =	ssyncadd.s32 @!p1 $0xFFFFC000  }
0x33: {  	s13 =	smov.u32 s20;
	s15 =	sadd.s32 $0x1, s15;
	s14 =	smov.u32 s22  }
.LBB1_1:
0x34: {  	p1 =	sge.u32 s15, s7  }
0x35: {  	p2 =	sgt.s32 @!p1 s14, $0x7  }
0x36: {  	s19 =	smov.u32 s14;
	s20 =	sshra.s32 @!p1 s14, $0x1F;
	p2 =	por !p2, p1  }
0x37: {  	s20 =	sand.u32 @!p1 s20, s14;
	s19 =	simm.s32 @p2 $0x7  }
0x38: {  	s19 =	ssub.s32 @!p1 s19, s20  }
0x39: {  	s21 =	smov.u32 s13;
	p3 =	sgt.s32 @!p1 s13, $0x1;
	s20 =	sadd.s32 @!p1 $0xFFFFFFF9, s19  }
0x3a: {  	s22 =	sshra.s32 @!p1 s12, $0x1F;
	p2 =	sgt.s32 @!p1 s20, $0x0;
	s20 =	sshra.s32 @!p1 s13, $0x1F  }
0x3b: {  	p3 =	por !p3, p1;
	s22 =	sand.u32 @!p1 s22, s12;
	s20 =	sand.u32 @!p1 s20, s13  }
0x3c: {  	s21 =	simm.s32 @p3 $0x1;
	p3 =	sgt.s32 @!p1 s12, $0x37;
	s20 =	sxor.u32 @!p1 $0xFFFFFFFF, s20  }
0x3d: {  	p3 =	por !p3, p1;
	s20 =	sadd.s32 @!p1 s20, s21;
	s21 =	smov.u32 s12  }
0x3e: {  	s19 =	ssub.s32 @!p1 $0x8, s19;
	s23 =	ssub.s32 @!p1 $0x1, s20;
	s21 =	simm.s32 @p3 $0x37  }
0x3f: {  	p3 =	sgt.s32 @!p1 s20, $0x0;
	s20 =	ssub.s32 @!p1 s21, s22;
	s21 =	smul.u32 @!p1 $0xE000, s23  }
0x40: {  	p2 =	por !p2, p1;
	p3 =	por !p3, p1;
	s22 =	sadd.s32 @!p1 $0xFFFFFFC9, s20  }
0x41: {  	s19 =	simm.s32 @!p2 $0x0;
	p2 =	sgt.s32 @!p1 s22, $0x0;
	s21 =	simm.s32 @!p3 $0x0  }
0x42: {  	s20 =	ssub.s32 @!p1 $0x38, s20;
	p2 =	por !p2, p1;
	s19 =	smul.u32 @!p1 s19, s21  }
0x43: {  	s20 =	simm.s32 @!p2 $0x0  }
0x44: {  	s19 =	smul.u32 @!p1 s20, s19  }
0x45: {  	s20 =	smul.u32 @!p1 $0x31000, s14  }
0x46: {  	s22 =	smul.u32 @!p1 $0x18800, s13;
	s21 =	sxor.u32 @!p1 $0xFFFFFFFF, s15  }
0x47: {  	s23 =	smul.u32 @!p1 $0x700, s12;
	s21 =	sshll.u32 @!p1 s21, $0xE;
	s20 =	sadd.s32 @!p1 s2, s20  }
0x48: {  	s31 =	sadd.s32 $0xFFFFFFFF, s15;
	s21 =	sand.u32 @!p1 $0x4000, s21;
	s20 =	sadd.s32 @!p1 s22, s20  }
0x49: {  	s19 =	sshrl.u32 @!p1 s19, $0x2;
	s22 =	simm.s32 @!p1 $0x0;
	s20 =	sadd.s32 @!p1 s23, s20  }
0x4a: {  	[tilespmem:s21], [sflag:$0x1] =	stream.linear.gather @!p1 [hbm4b:s20+s22], s19, $0x38;
	[tilespmem:$0x10200] =	vst v63  }
0x4b: {  	p1 =	sge.u32 s31, s7  }
.Ltmp2:
0x4c: {  	_ = 	snop;
	(pc) =	sbr.rel @p1 .LBB1_5-.Ltmp2, $1  }
0x4d: {  	_ =	sdelay $0x3  }
0x4e: {  	p1 =	sgt.s32 s17, $0x7  }
0x4f: {  	s19 =	smov.u32 s17;
	s20 =	sshra.s32 s17, $0x1F;
	s21 =	sshra.s32 s16, $0x1F  }
0x50: {  	s19 =	simm.s32 @!p1 $0x7;
	s20 =	sand.u32 s20, s17;
	p1 =	sgt.s32 s16, $0x1  }
0x51: {  	s21 =	sand.u32 s21, s16;
	s19 =	ssub.s32 s19, s20;
	s20 =	smov.u32 s16  }
0x52: {  	p2 =	sgt.s32 s18, $0x37;
	s21 =	sxor.u32 $0xFFFFFFFF, s21;
	s20 =	simm.s32 @!p1 $0x1  }
0x53: {  	s23 =	sshra.s32 s18, $0x1F;
	s22 =	sadd.s32 $0xFFFFFFF9, s19;
	s20 =	sadd.s32 s21, s20  }
0x54: {  	p1 =	sgt.s32 s22, $0x0;
	s22 =	smov.u32 s18;
	s21 =	ssub.s32 $0x1, s20  }
0x55: {  	s23 =	sand.u32 s23, s18;
	s22 =	simm.s32 @!p2 $0x37;
	s21 =	smul.u32 $0xE000, s21  }
0x56: {  	s19 =	ssub.s32 $0x8, s19;
	p2 =	sgt.s32 s20, $0x0;
	s31 =	ssub.s32 s22, s23  }
0x57: {  	s19 =	simm.s32 @p1 $0x0;
	s22 =	sadd.s32 $0xFFFFFFC9, s31;
	s21 =	simm.s32 @p2 $0x0  }
0x58: {  	s20 =	ssub.s32 $0x38, s31;
	p1 =	sgt.s32 s22, $0x0;
	s19 =	smul.u32 s19, s21  }
0x59: {  	s24 =	sand.u32 $0x1, s15;
	s20 =	simm.s32 @p1 $0x0  }
0x5a: {  	s19 =	smul.u32 s20, s19;
	s20 =	sshll.u32 s24, $0xE  }
0x5b: {  	v0 =	vmov s20  }
0x5c: {  	s25 =	simm.s32 $0x0;
	s19 =	sshrl.u32 s19, $0x2  }
0x5d: {  	s26 =	sand.u32 $0x3800, s25;
	_ =	swait.ge [sflag:s6], s19  }
0x5e: {  	s30 =	sand.u32 $0x380, s25;
	s23 =	ssub.s32 $0x0, s19;
	[sflag:s6] =	ssyncset.done $0x0  }
0x5f: {  	s21 =	sor.u32 s30, s26;
	[sflag:s6] =	ssyncadd.s32 s23  }
0x60: {  	s22 =	sand.u32 $0x3B00, s21;
	v1 =	vld.idx.msk [tilespmem:v0+s21+$0x410 ss:$0x1], $0xffff  }
0x61: {  	s22 =	sadd.s32 s22, s20;
	s19 =	sand.u32 $0x80, s25;
	s23 =	simm.s32 $0x1;
	v2 =	vld.idx.msk [tilespmem:v0+s21+$0x420 ss:$0x1], $0xffff  }
0x62: {  	s19 =	sadd.s32 s19, s22;
	s23 =	simm.s32 @!p0 $0x0;
	v3 =	vld.idx.msk [tilespmem:v0+s21+$0x430 ss:$0x1], $0xffff  }
0x63: {  	v4 =	vld [tilespmem:s19+$0x400];
	s31 =	smul.u32 $0x10400, s23  }
0x64: {  	v5 =	vld [tilespmem:s19+$0x0]  }
0x65: {  	v6 =	vld [tilespmem:s19+$0x10];
	s22 =	sshrl.u32 s31, $0x2  }
0x66: {  	v7 =	vld [tilespmem:s19+$0x20];
	s22 =	sor.u32 $0x8000, s22  }
0x67: {  	v9 =	vld [tilespmem:s19+$0x30];
	s23 =	sadd.s32 $0x0, s22  }
0x68: {  	v10 =	vld [tilespmem:s19+$0x40];
	[tilespmem:s23+$0x2080 ss:$0x41] =	vst.msk $0xffff, v4  }
0x69: {  	v11 =	vld [tilespmem:s19+$0x50];
	[tilespmem:s23+$0x0 ss:$0x41] =	vst.msk $0xffff, v5  }
0x6a: {  	v8 =	vld [tilespmem:s19+$0x60];
	[tilespmem:s23+$0x410 ss:$0x41] =	vst.msk $0xffff, v6  }
0x6b: {  	s24 =	smul.u32 $0x10400, s24;
	[tilespmem:s23+$0x820 ss:$0x41] =	vst.msk $0xffff, v7;
	v7 =	vld [tilespmem:s19+$0x70]  }
0x6c: {  	s27 =	simm.s32 $0x8;
	s26 =	simm.s32 $0x100;
	[tilespmem:s23+$0xC30 ss:$0x41] =	vst.msk $0xffff, v9;
	v4 =	vld.idx.msk [tilespmem:v0+s21+$0x440 ss:$0x1], $0xffff  }
0x6d: {  	s28 =	sand.u32 $0x3800, s26;
	s24 =	sshrl.u32 s24, $0x2;
	s25 =	simm.s32 $0x80;
	[tilespmem:s23+$0x1040 ss:$0x41] =	vst.msk $0xffff, v10;
	v5 =	vld.idx.msk [tilespmem:v0+s21+$0x450 ss:$0x1], $0xffff  }
0x6e: {  	s29 =	sand.u32 $0x380, s25;
	s19 =	sor.u32 $0x8000, s24;
	s24 =	simm.s32 $0x4;
	[tilespmem:s23+$0x1450 ss:$0x41] =	vst.msk $0xffff, v11;
	v6 =	vld.idx.msk [tilespmem:v0+s21+$0x460 ss:$0x1], $0xffff  }
.LBB1_3:
0x6f: {  	p1 =	sne.s32 s27, $0xFC;
	[tilespmem:s23+$0x1860 ss:$0x41] =	vst.msk $0xffff, v8;
	v8 =	vld.idx.msk [tilespmem:v0+s21+$0x470 ss:$0x1], $0xffff;
	s21 =	sor.u32 s29, s28  }
0x70: {  	s28 =	sand.u32 $0x3B00, s21;
	v9 =	vld.idx.msk [tilespmem:v0+s21+$0x410 ss:$0x1], $0xffff;
	[tilespmem:s23+$0x1C70 ss:$0x41] =	vst.msk $0xffff, v7  }
0x71: {  	s29 =	sand.u32 $0x80, s25;
	s28 =	sadd.s32 s28, s20;
	v7 =	vld.idx.msk [tilespmem:v0+s21+$0x420 ss:$0x1], $0xffff;
	[tilespmem:s23+$0x2490 ss:$0x41] =	vst.msk $0xffff, v1  }
0x72: {  	s28 =	sadd.s32 s29, s28;
	v10 =	vld.idx.msk [tilespmem:v0+s21+$0x430 ss:$0x1], $0xffff;
	[tilespmem:s23+$0x28A0 ss:$0x41] =	vst.msk $0xffff, v2  }
0x73: {  	v11 =	vld [tilespmem:s28+$0x400];
	[tilespmem:s23+$0x2CB0 ss:$0x41] =	vst.msk $0xffff, v3  }
0x74: {  	v12 =	vld [tilespmem:s28+$0x0];
	[tilespmem:s23+$0x30C0 ss:$0x41] =	vst.msk $0xffff, v4  }
0x75: {  	v4 =	vld [tilespmem:s28+$0x10];
	[tilespmem:s23+$0x34D0 ss:$0x41] =	vst.msk $0xffff, v5  }
0x76: {  	s29 =	sshra.s32 s24, $0x2;
	s24 =	smov.u32 s27;
	v1 =	vmov v9;
	v5 =	vld [tilespmem:s28+$0x20];
	[tilespmem:s23+$0x38E0 ss:$0x41] =	vst.msk $0xffff, v6  }
0x77: {  	v2 =	vmov v7;
	v6 =	vld [tilespmem:s28+$0x30];
	[tilespmem:s23+$0x3CF0 ss:$0x41] =	vst.msk $0xffff, v8;
	s23 =	sadd.s32 s29, s22  }
0x78: {  	v3 =	vmov v10;
	v9 =	vld [tilespmem:s28+$0x40];
	[tilespmem:s23+$0x2080 ss:$0x41] =	vst.msk $0xffff, v11  }
0x79: {  	[tilespmem:s23+$0x0 ss:$0x41] =	vst.msk $0xffff, v12;
	v10 =	vld [tilespmem:s28+$0x50]  }
.Ltmp3:
0x7a: {  	[tilespmem:s23+$0x410 ss:$0x41] =	vst.msk $0xffff, v4;
	v8 =	vld [tilespmem:s28+$0x60];
	(pc) =	sbr.rel @p1 .LBB1_3-.Ltmp3, $4  }
0x7b: {  	[tilespmem:s23+$0x820 ss:$0x41] =	vst.msk $0xffff, v5;
	v7 =	vld [tilespmem:s28+$0x70]  }
0x7c: {  	[tilespmem:s23+$0xC30 ss:$0x41] =	vst.msk $0xffff, v6;
	v4 =	vld.idx.msk [tilespmem:v0+s21+$0x440 ss:$0x1], $0xffff  }
0x7d: {  	s25 =	sadd.s32 $0x80, s25;
	s26 =	sadd.s32 $0x100, s26;
	[tilespmem:s23+$0x1040 ss:$0x41] =	vst.msk $0xffff, v9;
	v5 =	vld.idx.msk [tilespmem:v0+s21+$0x450 ss:$0x1], $0xffff  }
0x7e: {  	s27 =	sadd.s32 $0x4, s27;
	s29 =	sand.u32 $0x380, s25;
	s28 =	sand.u32 $0x3800, s26;
	[tilespmem:s23+$0x1450 ss:$0x41] =	vst.msk $0xffff, v10;
	v6 =	vld.idx.msk [tilespmem:v0+s21+$0x460 ss:$0x1], $0xffff  }
.Ltmp4:
0x7f: {  	_ = 	snop;
	(pc) =	sbr.rel .LBB1_4-.Ltmp4, $1  }
0x80: {  	_ =	sdelay $0x3  }
.LBB1_6:
0x81: {  	_ =	sfence.sel $0x180000  }
0x82: {  	s2 =	simm.s32 $0x1;
	[bflag:$0x0] =	sbarrier.arrive $0xFFFF  }
0x83: {  	s31 =	simm.s32 $0x2;
	[sflag:s2] =	ssyncpa.u1 $0x1  }
0x84: {  	[sflag:s31] =	ssyncpa.u1 $0x1  }
0x85: {  	p0 =	sne.s32 s0, $0x0;
	_ =	strace $0x90000047  }
0x86: {  	s0 =	sadd.s32 @!p0 $0x100000, s1;
	[bflag:$0x2] =	sbarrier.arrive $0xFFFF  }
0x87: {  	[sflag:s0] =	ssyncadd.tile.s32 @!p0 $0x1;
	_ =	shalt  }
.Lfunc_end1:
_tile_overlayer_lowered:
.L_overlay_start_2:
0x88: {  	(tag) =	ssettag $0x2  }
0x89: {  	s0 =	rddreg [dreg:$0x0];
	s2 =	stileid.u32  }
0x8a: {  	s1 =	rddreg [dreg:$0x1];
	p0 =	sne.s32 s2, $0x0  }
0x8b: {  	s3 =	rddreg [dreg:$0x2];
	[bflag:$0x3] =	sbarrier.arrive $0xFFFF;
	s2 =	simm.s32 @!p0 $0x1C01  }
0x8c: {  	[timem:s3], [sflag:s2] =	dma.local @!p0 [hbm:s0], s1  }
0x8d: {  	s0 =	simm.s32 @!p0 $0x1  }
0x8e: {  	_ =	swait.ge @!p0 [sflag:s0], s1  }
0x8f: {  	s1 =	ssub.s32 @!p0 $0x0, s1;
	[sflag:s0] =	ssyncset.done @!p0 $0x0  }
0x90: {  	[sflag:s0] =	ssyncadd.s32 @!p0 s1  }
0x91: {  	[bflag:$0x3] =	sbarrier.arrive $0xFFFF  }
0x92: {  	_ =	shalt  }

// kernel: sparse-core-data-format-call.cloned.1.call-start
scs
called_computation_lowered:
.L_overlay_start_0:
0x0: {  	s2 =	sld [smem:$0x3FD9]  }
0x1: {  	s3 =	sld [smem:$0x3FFE];
	_ =	sdelay $0x1  }
0x2: {  	s1 =	srdreg.scid  }
0x3: {  	s0 =	sand.u32 $0x1, s1  }
0x4: {  	s18 =	sshll.u32 s0, $0xA;
	s2 =	sadd.s32 s3, s2  }
0x5: {  	s2 =	sadd.s32 s2, s18  }
0x6: {  	[smem:$0x3FC4] =	sst s2  }
0x7: {  	_ = 	snop  }
0x8: {  	s2 =	sld [smem:$0x3FD0];
	(tm) =	ssettm $0x1  }
0x9: {  	s19 =	sld [smem:$0x3FFB];
	_ =	sdelay $0x3  }
0xa: {  	_ =	strace s19  }
0xb: {  	s3 =	sld [smem:$0x3FFC];
	_ =	sdelay $0x3  }
0xc: {  	_ =	strace s3  }
0xd: {  	s3 =	sld [smem:$0x3FFD];
	_ =	sdelay $0x3  }
0xe: {  	_ =	strace s3  }
0xf: {  	_ =	strace $0x8FFFFFFF  }
0x10: {  	s20 =	sld [smem:$0x3FDB];
	_ =	sdelay $0x1  }
0x11: {  	s4 =	simm.s32 $_scs_section_size  }
0x12: {  	s5 =	simm.s32 $_size__tile_overlayer_lowered;
	s6 =	simm.s32 $_tile_overlayer_lowered  }
0x13: {  	s23 =	simm.s32 $0x1BFF;
	s22 =	sshll.u32 s6, $0x1;
	s3 =	sadd.s32 s4, s20  }
0x14: {  	s7 =	simm.s32 $0x0;
	s21 =	sshll.u32 s5, $0x1;
	s5 =	sadd.s32 s22, s3  }
0x15: {  	[timem:s7], [sflag:s23] =	dma.local [hbm:s5], s21  }
0x16: {  	_ =	swait.ge [sflag:s23], s21  }
0x17: {  	s4 =	ssub.s32 $0x0, s21;
	[sflag:s23] =	ssyncset.done $0x0  }
0x18: {  	[sflag:s23] =	ssyncadd.s32 s4;
	_ =	sdelay $0x1  }
0x19: {  	s24 =	simm.s32 $0x1B8B  }
0x1a: {  	_ =	swait.ge [sflag:s24], $0x1  }
0x1b: {  	[sflag:s24] =	ssyncset.done $0x0  }
0x1c: {  	s26 =	simm.s32 $0x1B8E;
	s25 =	sld [smem:$0x3FFE];
	[sflag:s24] =	ssyncadd.s32 $0xFFFFFFFF  }
0x1d: {  	s27 =	simm.s32 $execute0_lowered;
	[smem:$0x3FD2] =	sst s26  }
0x1e: {  	s5 =	sshll.u32 s27, $0x1;
	_ =	strace $0x8000004C;
	[dreg:$0x1] =	wrdreg $0xFFFFFFFF  }
0x1f: {  	s28 =	simm.s32 $_size_execute0_lowered;
	s3 =	sadd.s32 s3, s5;
	[dreg:$0x0] =	wrdreg $0x0  }
0x20: {  	s5 =	sshll.u32 s28, $0x1;
	[dreg:$0x2] =	wrdreg s3  }
0x21: {  	[dreg:$0x3] =	wrdreg s5  }
0x22: {  	[dreg:$0x4] =	wrdreg $0xC0  }
0x23: {  	_ =	task [dreg:s7], $0x5FFFF  }
0x24: {  	[dreg:$0x1] =	wrdreg $0xFFFFFFFF  }
0x25: {  	[dreg:$0x0] =	wrdreg $0x60  }
0x26: {  	[dreg:$0x2] =	wrdreg s25  }
0x27: {  	[dreg:$0x3] =	wrdreg s2  }
0x28: {  	[dreg:$0x4] =	wrdreg $0x9  }
0x29: {  	_ =	task.clear_ibuf [dreg:s7], $0x5FFFF;
	_ =	strace $0x9000004C  }
0x2a: {  	s29 =	simm.s32 $0x9;
	_ =	strace $0x8000004E  }
0x2b: {  	_ =	swait.ge [sflag:s29], $0x1  }
0x2c: {  	[sflag:s29] =	ssyncadd.s32 $0xFFFFFFFF  }
0x2d: {  	_ =	strace $0x9000004E  }
0x2e: {  	_ =	sfence  }
0x2f: {  	s30 =	sld [smem:$0x0];
	_ =	sdelay $0x2  }
0x30: {  	s31 =	sshll.u32 s1, $0xD;
	s1 =	sshrl.u32 s1, $0x2  }
0x31: {  	s3 =	sand.u32 $0x4000, s31;
	s1 =	sadd.s32 s1, s30  }
0x32: {  	s0 =	sor.u32 s3, s0;
	s1 =	sshll.u32 s1, $0x11  }
0x33: {  	s0 =	sor.u32 s1, s0  }
0x34: {  	s0 =	sadd.s32 $0x8F2B, s0  }
0x35: {  	[sflag:s0] =	ssyncadd.remote.s32 $0x1  }
0x36: {  	_ =	sfence.sel $0xFFFF  }
0x37: {  	[dreg:$0x0] =	wrdreg $0xFFFFFFFF;
	(pc) =	sbr.abs _section_cstart, $3  }
0x38: {  	[dreg:$0x1] =	wrdreg $0xFFFFFFFF  }
0x39: {  	_ =	task.clear_ibuf [dreg:s7], $0x2FFFF;
	_ =	strace $0x9FFFFFFF  }
0x3a: {  	(tm) =	ssettm $0x7FFFFFFF  }
0x3b: {  	_ =	shalt  }
tec
execute0_lowered:
.L_overlay_start_1:
0x0: {  	(tag) =	ssettag $0x1  }
0x1: {  	s0 =	stileid.u32;
	s2 =	srdreg.scid  }
0x2: {  	s7 =	rddreg [dreg:$0x0];
	s9 =	simm.s32 $0x2;
	s20 =	simm.s32 $0x0  }
0x3: {  	p0 =	por $0x0, $0x0;
	s10 =	simm.s32 $0x800;
	s1 =	sshll.u32 s0, $0x4  }
0x4: {  	s22 =	simm.s32 $0x0;
	s21 =	simm.s32 $0x0;
	s1 =	sand.u32 $0x80, s1  }
0x5: {  	s23 =	simm.s32 $0x0;
	s2 =	sand.u32 $0x1, s2;
	s3 =	ssub.s32 $0x100, s1  }
0x6: {  	s11 =	simm.s32 $0x0;
	s5 =	ssub.s32 $0x2, s2;
	s4 =	sshrl.u32 s3, $0x7  }
0x7: {  	s6 =	sshrl.u32 s5, $0x1;
	s3 =	sshrl.u32 s3, $0x8;
	s4 =	sand.u32 $0x1, s4  }
0x8: {  	s12 =	simm.s32 $0x0;
	s5 =	ssub.s32 s5, s6;
	s3 =	sadd.s32 s3, s4  }
0x9: {  	s13 =	simm.s32 $0x0;
	s14 =	simm.s32 $0x0;
	s6 =	smul.u32 s3, s5  }
.Ltmp0:
0xa: {  	s15 =	simm.s32 $0x0;
	s19 =	simm.s32 $0x0;
	(pc) =	sbr.rel .LBB1_1-.Ltmp0, $4  }
0xb: {  	s7 =	sadd.s32 $0x189200, s7;
	s8 =	sand.u32 $0x7, s0;
	s4 =	rddreg [dreg:$0x1]  }
0xc: {  	_ =	strace $0x8000004D;
	s5 =	simm.s32 $0x1;
	s6 =	smul.u32 $0x38, s6  }
0xd: {  	s16 =	smov.u32 s2;
	s18 =	smov.u32 s8;
	[sflag:s5] =	ssyncpa.u1 $0x0  }
0xe: {  	s17 =	smov.u32 s1;
	[sflag:s9] =	ssyncpa.u1 $0x0;
	s9 =	sor.u32 $0x1, s6  }
.LBB1_4:
0xf: {  	p1 =	sgt.s32 s14, $0x7  }
0x10: {  	s26 =	smov.u32 s14;
	s27 =	sshra.s32 s14, $0x1F;
	s28 =	sshrl.u32 s13, $0x5  }
0x11: {  	p2 =	sgt.s32 s12, $0x1;
	s30 =	sshra.s32 s12, $0x1F;
	s31 =	smov.u32 s11  }
0x12: {  	s3 =	sshra.s32 s11, $0x1F;
	p3 =	sgt.s32 s13, $0x80;
	s0 =	sshra.s32 s13, $0x1F  }
0x13: {  	s26 =	simm.s32 @!p1 $0x7;
	s27 =	sand.u32 s27, s14;
	s28 =	sand.u32 $0xFFFFFC, s28  }
0x14: {  	s30 =	sand.u32 s30, s12;
	s3 =	sand.u32 s3, s11;
	s26 =	ssub.s32 s26, s27  }
0x15: {  	s27 =	smulhi.u32 $0x4924925, s28;
	s29 =	sadd.s32 $0xFFFFFFF9, s26;
	s26 =	ssub.s32 $0x8, s26  }
0x16: {  	p1 =	sgt.s32 s29, $0x0;
	s29 =	smov.u32 s12;
	s26 =	smul.u32 $0x38, s26  }
0x17: {  	s30 =	sxor.u32 $0xFFFFFFFF, s30;
	s27 =	smul.u32 $0x38, s27;
	s29 =	simm.s32 @!p2 $0x1  }
0x18: {  	s0 =	sand.u32 s0, s13;
	p2 =	sgt.s32 s11, $0x37;
	s29 =	sadd.s32 s30, s29  }
0x19: {  	s31 =	simm.s32 @!p2 $0x37;
	s26 =	simm.s32 @p1 $0x0;
	s27 =	ssub.s32 s28, s27  }
0x1a: {  	p2 =	sgt.s32 s29, $0x0;
	s3 =	ssub.s32 s31, s3;
	s31 =	smov.u32 s13  }
0x1b: {  	s29 =	ssub.s32 $0x1, s29;
	s30 =	sadd.s32 $0xFFFFFFC9, s3;
	s31 =	simm.s32 @!p3 $0x80  }
0x1c: {  	s29 =	simm.s32 @p2 $0x0;
	s3 =	ssub.s32 $0x38, s3;
	s0 =	ssub.s32 s31, s0  }
0x1d: {  	p3 =	sgt.s32 s30, $0x0;
	s26 =	smul.u32 s29, s26;
	s30 =	sadd.s32 $0xFFFFFF80, s0  }
0x1e: {  	s29 =	smul.u32 $0x31000, s14;
	s0 =	ssub.s32 $0x100, s0;
	p1 =	sgt.s32 s30, $0x7F  }
0x1f: {  	s31 =	smul.u32 $0x18800, s12;
	s3 =	simm.s32 @p3 $0x0;
	s0 =	simm.s32 @p1 $0x0  }
0x20: {  	s30 =	sshrl.u32 s13, $0x3;
	s29 =	sadd.s32 s4, s29;
	s0 =	smul.u32 s0, s26  }
0x21: {  	s28 =	sadd.s32 s31, s29;
	s31 =	smul.u32 $0x700, s11;
	s26 =	sand.u32 $0xF, s30  }
0x22: {  	[tilespmem:s25+$0x810 ss:$0x81] =	vst.msk $0xffff, v2;
	s30 =	sand.u32 $0x7, s13;
	s28 =	sadd.s32 s26, s28;
	s0 =	smul.u32 s3, s0  }
0x23: {  	[tilespmem:s25+$0x1020 ss:$0x81] =	vst.msk $0xffff, v0;
	s27 =	sshll.u32 s27, $0x5;
	s26 =	sshll.u32 s30, $0x12;
	s3 =	sadd.s32 s31, s28  }
0x24: {  	[tilespmem:s25+$0x0 ss:$0x81] =	vst.msk $0xffff, v1;
	s31 =	sor.u32 $0x400, s26;
	s3 =	sadd.s32 s27, s3;
	s0 =	sand.u32 $0x3FFFFFF8, s0  }
0x25: {  	[hbm4b:s3+s31] =	stream.strided.scatter [tilespmem:s24], [sflag:$0x2], s0, s10, s31, $0x20;
	[tilespmem:$0x8080] =	vst v63  }
.LBB1_5:
0x26: {  	p1 =	slt.u32 s19, $0x2;
	s0 =	smov.u32 s23;
	s25 =	smov.u32 s16  }
0x27: {  	s26 =	smov.u32 s17;
	p2 =	sgt.s32 @!p1 s23, $0x7;
	s3 =	sshra.s32 @!p1 s23, $0x1F  }
0x28: {  	s24 =	sshra.s32 @!p1 s22, $0x1F;
	p4 =	sgt.s32 @!p1 s20, $0x37;
	p2 =	por !p2, p1  }
0x29: {  	s3 =	sand.u32 @!p1 s3, s23;
	s23 =	smov.u32 s22;
	s0 =	simm.s32 @p2 $0x7  }
0x2a: {  	p2 =	sgt.s32 @!p1 s22, $0x1;
	s22 =	sand.u32 @!p1 s24, s22;
	s24 =	sshra.s32 @!p1 s21, $0x1F  }
0x2b: {  	p2 =	por !p2, p1;
	s0 =	ssub.s32 @!p1 s0, s3;
	s3 =	sxor.u32 @!p1 $0xFFFFFFFF, s22  }
0x2c: {  	s23 =	simm.s32 @p2 $0x1;
	s22 =	sadd.s32 @!p1 $0xFFFFFFF9, s0;
	s0 =	ssub.s32 @!p1 $0x8, s0  }
0x2d: {  	s3 =	sadd.s32 @!p1 s3, s23;
	p2 =	sgt.s32 @!p1 s22, $0x0;
	s22 =	smov.u32 s20  }
0x2e: {  	s23 =	smov.u32 s21;
	s0 =	smul.u32 @!p1 $0x38, s0;
	p3 =	sgt.s32 @!p1 s3, $0x0  }
0x2f: {  	s3 =	ssub.s32 @!p1 $0x1, s3;
	p2 =	por !p2, p1;
	p3 =	por !p3, p1  }
0x30: {  	s3 =	simm.s32 @!p3 $0x0;
	p3 =	por !p4, p1;
	p4 =	sgt.s32 @!p1 s21, $0x80  }
0x31: {  	s0 =	simm.s32 @!p2 $0x0;
	s22 =	simm.s32 @p3 $0x37;
	p3 =	por !p4, p1  }
0x32: {  	s21 =	sand.u32 @!p1 s24, s21;
	s24 =	sshra.s32 @!p1 s20, $0x1F;
	s23 =	simm.s32 @p3 $0x80  }
0x33: {  	s20 =	sand.u32 @!p1 s24, s20;
	s0 =	smul.u32 @!p1 s3, s0;
	s21 =	ssub.s32 @!p1 s23, s21  }
0x34: {  	s24 =	sadd.s32 $0x1, s15;
	s20 =	ssub.s32 @!p1 s22, s20;
	s22 =	sadd.s32 @!p1 $0xFFFFFF80, s21  }
0x35: {  	s23 =	sadd.s32 @!p1 $0xFFFFFFC9, s20;
	s3 =	ssub.s32 @!p1 $0x38, s20;
	p3 =	sgt.s32 @!p1 s22, $0x7F  }
0x36: {  	s21 =	ssub.s32 @!p1 $0x100, s21;
	p2 =	por !p3, p1;
	p3 =	sgt.s32 @!p1 s23, $0x0  }
0x37: {  	s20 =	sadd.s32 $0x2, s16;
	s21 =	simm.s32 @!p2 $0x0;
	p2 =	por !p3, p1  }
0x38: {  	s0 =	smul.u32 @!p1 s21, s0;
	s3 =	simm.s32 @!p2 $0x0;
	p2 =	sgt.s32 s24, $0x37  }
0x39: {  	s27 =	smov.u32 s18;
	p0 =	por !p0, !p0;
	s25 =	smov.u32 @p2 s20  }
0x3a: {  	s0 =	smul.u32 @!p1 s3, s0;
	p3 =	sgt.s32 s25, $0x1;
	s3 =	sadd.s32 $0x100, s17  }
0x3b: {  	s22 =	smov.u32 s12;
	s12 =	smov.u32 s16;
	s26 =	smov.u32 @p3 s3  }
0x3c: {  	s23 =	smov.u32 s14;
	s20 =	sadd.s32 $0x8, s18;
	p4 =	sgt.s32 s26, $0xFF  }
0x3d: {  	s14 =	smov.u32 s18;
	s21 =	smov.u32 s13;
	s27 =	smov.u32 @p4 s20  }
0x3e: {  	s13 =	smov.u32 s17;
	s24 =	simm.s32 @p2 $0x0;
	p2 =	sgt.s32 s27, $0x7  }
0x3f: {  	s3 =	simm.s32 @!p1 $0x2;
	s27 =	smov.u32 @p2 s8;
	p2 =	sne.s32 s19, s9  }
.Ltmp1:
0x40: {  	s25 =	smov.u32 @p3 s2;
	s0 =	sand.u32 @!p1 $0x3FFFFFF8, s0;
	(pc) =	sbr.rel @!p2 .LBB1_6-.Ltmp1, $4  }
0x41: {  	s16 =	smov.u32 s25;
	_ =	swait.ge @!p1 [sflag:s3], s0;
	s0 =	ssub.s32 @!p1 $0x0, s0  }
0x42: {  	s26 =	smov.u32 @p4 s1;
	s20 =	smov.u32 s11;
	s11 =	smov.u32 s15  }
0x43: {  	s15 =	smov.u32 s24;
	[sflag:s3] =	ssyncset.done @!p1 $0x0;
	s17 =	smov.u32 s26  }
0x44: {  	s19 =	sadd.s32 $0x1, s19;
	[sflag:s3] =	ssyncadd.s32 @!p1 s0;
	s18 =	smov.u32 s27  }
.LBB1_1:
0x45: {  	p1 =	sge.u32 s19, s6  }
0x46: {  	s24 =	sand.u32 @!p1 $0x1FFFFFF, s15;
	s26 =	smul.u32 @!p1 $0x70000, s18  }
0x47: {  	s25 =	smulhi.u32 @!p1 $0x4924925, s24  }
0x48: {  	s27 =	smul.u32 @!p1 $0x700, s17  }
0x49: {  	s31 =	sadd.s32 $0xFFFFFFFF, s19;
	s25 =	smul.u32 @!p1 $0x38, s25  }
0x4a: {  	s28 =	sxor.u32 @!p1 $0xFFFFFFFF, s19;
	s29 =	smul.u32 @!p1 $0x380, s16;
	s26 =	sadd.s32 @!p1 s7, s26  }
0x4b: {  	s26 =	sadd.s32 @!p1 s27, s26;
	s27 =	simm.s32 @!p1 $0x3800;
	s24 =	ssub.s32 @!p1 s24, s25  }
0x4c: {  	s26 =	sadd.s32 @!p1 s29, s26;
	s25 =	sshll.u32 @!p1 s28, $0xD;
	s24 =	sshll.u32 @!p1 s24, $0x4  }
0x4d: {  	s25 =	sand.u32 @!p1 $0x2000, s25;
	s24 =	sadd.s32 @!p1 s24, s26;
	s26 =	simm.s32 @!p1 $0x40  }
0x4e: {  	[tilespmem:s25], [sflag:$0x1] =	stream.strided.gather @!p1 [hbm4b:s24+s26], $0x2000, s27, s26, $0x38;
	[tilespmem:$0x8080] =	vst v63  }
0x4f: {  	p1 =	sge.u32 s31, s6  }
.Ltmp2:
0x50: {  	_ = 	snop;
	(pc) =	sbr.rel @p1 .LBB1_5-.Ltmp2, $1  }
0x51: {  	_ =	sdelay $0x3  }
0x52: {  	s24 =	simm.s32 $0x1  }
0x53: {  	_ =	swait.ge [sflag:s5], $0x2000;
	s24 =	simm.s32 @!p0 $0x0  }
0x54: {  	[sflag:s5] =	ssyncset.done $0x0;
	s25 =	sshll.u32 s24, $0xD  }
0x55: {  	[sflag:s5] =	ssyncadd.s32 $0xFFFFE000;
	s28 =	sor.u32 $0x20, s25  }
0x56: {  	s24 =	smul.u32 $0x8100, s24;
	v3 =	vld [tilespmem:s28+$0x10]  }
0x57: {  	s30 =	sand.u32 $0x1, s19;
	v2 =	vld [tilespmem:s28+$0xFFFFFFF0]  }
0x58: {  	s25 =	smul.u32 $0x8100, s30;
	s24 =	sshrl.u32 s24, $0x2;
	v0 =	vld [tilespmem:s28+$0x0]  }
0x59: {  	v1 =	vld [tilespmem:s28+$0xFFFFFFE0];
	s26 =	sor.u32 $0x4000, s24  }
0x5a: {  	s31 =	sshrl.u32 s25, $0x2;
	s25 =	sadd.s32 $0x0, s26  }
0x5b: {  	s27 =	simm.s32 $0x4;
	s28 =	sadd.s32 $0x40, s28;
	s24 =	sor.u32 $0x4000, s31;
	[tilespmem:s25+$0x1830 ss:$0x81] =	vst.msk $0xffff, v3  }
.LBB1_3:
0x5c: {  	v3 =	vld [tilespmem:s28+$0x10];
	p1 =	sne.s32 s27, $0x1FC;
	[tilespmem:s25+$0x810 ss:$0x81] =	vst.msk $0xffff, v2;
	s29 =	smov.u32 s27;
	s27 =	sadd.s32 $0x4, s27  }
.Ltmp3:
0x5d: {  	v2 =	vld [tilespmem:s28+$0xFFFFFFF0];
	[tilespmem:s25+$0x1020 ss:$0x81] =	vst.msk $0xffff, v0;
	(pc) =	sbr.rel @p1 .LBB1_3-.Ltmp3, $4  }
0x5e: {  	v0 =	vld [tilespmem:s28+$0x0];
	[tilespmem:s25+$0x0 ss:$0x81] =	vst.msk $0xffff, v1  }
0x5f: {  	s25 =	sshra.s32 s29, $0x2;
	v1 =	vld [tilespmem:s28+$0xFFFFFFE0]  }
0x60: {  	s25 =	sadd.s32 s25, s26  }
0x61: {  	s28 =	sadd.s32 $0x40, s28;
	[tilespmem:s25+$0x1830 ss:$0x81] =	vst.msk $0xffff, v3  }
.Ltmp4:
0x62: {  	_ = 	snop;
	(pc) =	sbr.rel .LBB1_4-.Ltmp4, $1  }
0x63: {  	_ =	sdelay $0x3  }
.LBB1_6:
0x64: {  	_ =	sfence.sel $0x180000  }
0x65: {  	s0 =	simm.s32 $0x1;
	[bflag:$0x0] =	sbarrier.arrive $0xFFFF  }
0x66: {  	s30 =	simm.s32 $0x2;
	[sflag:s0] =	ssyncpa.u1 $0x1  }
0x67: {  	[sflag:s30] =	ssyncpa.u1 $0x1  }
0x68: {  	_ =	strace $0x9000004D  }
0x69: {  	s31 =	stileid.u32;
	[bflag:$0x2] =	sbarrier.arrive $0xFFFF  }
0x6a: {  	p0 =	sne.s32 s31, $0x0;
	s0 =	rddreg [dreg:$0x2]  }
0x6b: {  	s0 =	sadd.s32 @!p0 $0x100000, s0  }
0x6c: {  	[sflag:s0] =	ssyncadd.tile.s32 @!p0 $0x1;
	_ =	shalt  }
.Lfunc_end1:
_tile_overlayer_lowered:
.L_overlay_start_2:
0x6d: {  	(tag) =	ssettag $0x2  }
0x6e: {  	s0 =	rddreg [dreg:$0x0];
	s2 =	stileid.u32  }
0x6f: {  	s1 =	rddreg [dreg:$0x1];
	p0 =	sne.s32 s2, $0x0  }
0x70: {  	s3 =	rddreg [dreg:$0x2];
	[bflag:$0x3] =	sbarrier.arrive $0xFFFF;
	s2 =	simm.s32 @!p0 $0x1C01  }
0x71: {  	[timem:s3], [sflag:s2] =	dma.local @!p0 [hbm:s0], s1  }
0x72: {  	s0 =	simm.s32 @!p0 $0x1  }
0x73: {  	_ =	swait.ge @!p0 [sflag:s0], s1  }
0x74: {  	s1 =	ssub.s32 @!p0 $0x0, s1;
	[sflag:s0] =	ssyncset.done @!p0 $0x0  }
0x75: {  	[sflag:s0] =	ssyncadd.s32 @!p0 s1  }
0x76: {  	[bflag:$0x3] =	sbarrier.arrive $0xFFFF  }
0x77: {  	_ =	shalt  }

</sc_bundles>
